<compile_context>
chip_gen: v7x
topology: tpu7x:2x2x1
jax: 0.10.2.dev20260603
libtpu: 0.0.44.dev20260713+nightly
codegen_flags: <defaults>
</compile_context>

<pallas_src>
import functools

import jax
import jax.numpy as jnp
from jax import lax
from jax.experimental import pallas as pl
from jax.experimental.pallas import tpu as pltpu
from jax.experimental.pallas import tpu_sc as plsc

_MARGIN_S = 64.0
_MARGIN_M = 0.35
_N = 100000
_B = 1024


_R = 16


def _margin_block(lbl_ref, x_ref, o_ref):
    lbl = lbl_ref[:, 0]
    cols = jax.lax.broadcasted_iota(jnp.int32, (_R, _N), 1)
    mask = cols == lbl[:, None]
    x = x_ref[...]
    o_ref[...] = (x - jnp.where(mask, _MARGIN_M, 0.0)) * _MARGIN_S


def _kernel_tc(orin_out, labels):
    lbl2d = labels.astype(jnp.int32).reshape(_B, 1)
    return pl.pallas_call(
        _margin_block,
        grid=(_B // _R,),
        in_specs=[
            pl.BlockSpec((_R, 1), lambda i: (i, 0)),
            pl.BlockSpec((_R, _N), lambda i: (i, 0)),
        ],
        out_specs=pl.BlockSpec((_R, _N), lambda i: (i, 0)),
        out_shape=jax.ShapeDtypeStruct((_B, _N), jnp.float32),
    )(lbl2d, orin_out)



_NC = 2
_NS = 16
_NW = _NC * _NS
_RPW = _B // _NW
_RG = _RPW // 8
_W = 4992
_NCH = _N // _W
_WT = _N - _NCH * _W


def _sc_body(x_hbm, lbl_hbm, out_hbm, lbl_v, buf, tbuf, _):
    wid = lax.axis_index("s") * _NC + lax.axis_index("c")
    base_row = pl.multiple_of(wid * _RPW, _RPW)
    pltpu.sync_copy(lbl_hbm, lbl_v.at[pl.ds(0, _B)])

    lanes = lax.iota(jnp.int32, 16)

    def rg_body(rg, carry):
        r8 = pl.multiple_of(base_row + rg * 8, 8)
        lvec = lbl_v[pl.ds(r8, 16)]
        for ci in range(1):
            c0 = ci * _W
            w = _W if ci < _NCH else _WT
            dst = buf if ci < _NCH else tbuf
            pltpu.sync_copy(x_hbm.at[pl.ds(r8, 8), pl.ds(c0, w)], dst)
            for i in range(8):
                l = lvec[i]

                @pl.when((l >= c0) & (l < c0 + w))
                def _(i=i, l=l, dst=dst, c0=c0):
                    off = l - c0
                    jb = (off // 16) * 16
                    v = dst[i, pl.ds(jb, 16)]
                    m = lanes == off - jb
                    dst[i, pl.ds(jb, 16)] = jnp.where(m, v - _MARGIN_M, v)

            def scale_body(j, carry2, b=dst):
                for i in range(8):
                    s = pl.ds(j * 16, 16)
                    b[i, s] = b[i, s] * _MARGIN_S
                return carry2

            lax.fori_loop(0, w // 16, scale_body, 0)
            pltpu.sync_copy(dst, out_hbm.at[pl.ds(r8, 8), pl.ds(c0, w)])
        return carry

    lax.fori_loop(0, _RG, rg_body, 0)


_sc_kernel = functools.partial(
    pl.kernel,
    out_type=jax.ShapeDtypeStruct((_B, _N), jnp.float32),
    mesh=plsc.VectorSubcoreMesh(core_axis_name="c", subcore_axis_name="s"),
    scratch_types=[
        pltpu.VMEM((_B + 16,), jnp.int32),
        pltpu.VMEM((8, _W), jnp.float32),
        pltpu.VMEM((8, _WT), jnp.float32),
        pltpu.SemaphoreType.DMA,
    ],
)(_sc_body)


def _kernel_sc(orin_out, labels):
    return _sc_kernel(orin_out, labels.astype(jnp.int32))


def kernel(orin_out, labels):
    return _kernel_sc(orin_out, labels)

# --- scband reference (transcript-rebuilt; emitter-appended) ---
"""Pipeline reference for scband-margin-17420387353044 (READ-ONLY COPY).

The authoritative reference and input builder live on the scoring server;
editing this copy changes nothing except your own understanding.
"""

import jax, jax.numpy as jnp
import numpy as np

MARGIN_S = 64.0
MARGIN_M = 0.35
NUM_CLASSES = 100000
BATCH = 1024


def setup_inputs(seed: int = 0) -> dict:
    key = jax.random.key(seed)
    k1, k2 = jax.random.split(key)
    orin_out = jax.random.normal(k1, (BATCH, NUM_CLASSES), dtype=jnp.float32)
    labels = jax.random.randint(k2, (BATCH,), 0, NUM_CLASSES, dtype=jnp.int64 if jax.config.jax_enable_x64 else jnp.int32)
    return {"orin_out": orin_out, "labels": labels}


def reference(orin_out, labels):
    # label_one_hot = zeros; scatter margin_m at (row, label) positions
    rows = jnp.arange(orin_out.shape[0])
    label_one_hot = jnp.zeros((orin_out.shape[0], NUM_CLASSES), dtype=jnp.float32)
    label_one_hot = label_one_hot.at[rows, labels].set(MARGIN_M)
    out = orin_out - label_one_hot
    out = out * MARGIN_S
    return out

if __name__ == "__main__":
    import jax
    _d = setup_inputs()
    print(jax.jit(kernel)(*tuple(_d.values())))

</pallas_src>

<mosaic_0001>
#map = affine_map<(d0, d1) -> (0, 0)>
#map1 = affine_map<(d0, d1) -> (0)>
module attributes {stable_mosaic.version = 14 : i64} {
  func.func @_sc_body(%arg0: i32, %arg1: i32, %arg2: memref<1024x100000xf32, #tpu.memory_space<hbm>>, %arg3: memref<1024xi32, #tpu.memory_space<hbm>>, %arg4: memref<1024x100000xf32, #tpu.memory_space<hbm>>, %arg5: memref<1040xi32, #tpu.memory_space<vmem>>, %arg6: memref<8x4992xf32, #tpu.memory_space<vmem>>, %arg7: memref<8x160xf32, #tpu.memory_space<vmem>>, %arg8: memref<!tpu.dma_semaphore, #tpu.memory_space<semaphore_mem>>) attributes {dimension_semantics = [#tpu.dimension_semantics<core_parallel>, #tpu.dimension_semantics<subcore_parallel>], iteration_bounds = array<i64: 2, 16>, scalar_prefetch = 0 : i64, scratch_operands = 4 : i64, tpu.core_type = #tpu.core_type<sc_vector_subcore>, window_params = [{transform_indices = #map}, {transform_indices = #map1}, {transform_indices = #map}]} {
    %mul3A = arith.constant 2 : i32
    %mul3A_0 = arith.muli %arg1, %mul3A : i32
    %add3A = arith.addi %mul3A_0, %arg0 : i32
    %mul3A_1 = arith.constant 32 : i32
    %mul3A_2 = arith.muli %add3A, %mul3A_1 : i32
    %multiple_of3A = tpu.assume_multiple %mul3A_2, 32 : i32
    "tpu.region"() ({
      %run_scoped3A = tpu.sem_alloc : memref<!tpu.dma_semaphore, #tpu.memory_space<semaphore_mem>>
      %dma_start3A = arith.constant 0 : i32
      %dma_start3A_8 = tpu.memref_slice %arg5[%dma_start3A] : memref<1040xi32, #tpu.memory_space<vmem>> -> memref<1024xi32, #tpu.memory_space<vmem>>
      %dma_start3A_9 = arith.constant 0 : i32
      %dma_start3A_10 = tpu.memref_slice %arg5[%dma_start3A_9] : memref<1040xi32, #tpu.memory_space<vmem>> -> memref<1024xi32, #tpu.memory_space<vmem>>
      tpu.enqueue_dma source(%arg3 : memref<1024xi32, #tpu.memory_space<hbm>>) target(%dma_start3A_10 : memref<1024xi32, #tpu.memory_space<vmem>>) target_semaphore(%run_scoped3A : memref<!tpu.dma_semaphore, #tpu.memory_space<semaphore_mem>>)
      %dma_wait3A = arith.constant 0 : i32
      %dma_wait3A_11 = tpu.memref_slice %arg5[%dma_wait3A] : memref<1040xi32, #tpu.memory_space<vmem>> -> memref<1024xi32, #tpu.memory_space<vmem>>
      %dma_wait3A_12 = arith.constant 0 : i32
      %dma_wait3A_13 = tpu.memref_slice %arg5[%dma_wait3A_12] : memref<1040xi32, #tpu.memory_space<vmem>> -> memref<1024xi32, #tpu.memory_space<vmem>>
      tpu.wait_dma2 semaphore(%run_scoped3A : memref<!tpu.dma_semaphore, #tpu.memory_space<semaphore_mem>>) src(%arg3 : memref<1024xi32, #tpu.memory_space<hbm>>) dst(%dma_wait3A_13 : memref<1024xi32, #tpu.memory_space<vmem>>)
      tpu.yield
    }) : () -> ()
    %iota3A = tpu.iota {dimensions = array<i32: 0>} : vector<16xi32>
    %scan3A = arith.constant 0 : i32
    %scan3A_3 = arith.constant 0 : i32
    %scan3A_4 = arith.constant 4 : i32
    %scan3A_5 = arith.addi %scan3A_3, %scan3A_4 : i32
    %scan3A_6 = arith.constant 1 : i32
    scf.for %scan3A_8 = %scan3A_3 to %scan3A_5 step %scan3A_6  : i32 {
      %mul3A_9 = arith.constant 8 : i32
      %mul3A_10 = arith.muli %scan3A_8, %mul3A_9 : i32
      %add3A_11 = arith.addi %multiple_of3A, %mul3A_10 : i32
      %multiple_of3A_12 = tpu.assume_multiple %add3A_11, 8 : i32
      %get3A = arith.index_cast %multiple_of3A_12 : i32 to index
      %get3A_13 = tpu.vector_load %arg5[%get3A] {strides = array<i32>} : memref<1040xi32, #tpu.memory_space<vmem>>, vector<16xi32>,
      %get3A_14 = vector.shape_cast %get3A_13 : vector<16xi32> to vector<16xi32>
      "tpu.region"() ({
        %run_scoped3A = tpu.sem_alloc : memref<!tpu.dma_semaphore, #tpu.memory_space<semaphore_mem>>
        %dma_start3A = arith.constant 0 : i32
        %dma_start3A_94 = tpu.memref_slice %arg2[%multiple_of3A_12, %dma_start3A] : memref<1024x100000xf32, #tpu.memory_space<hbm>> -> memref<8x4992xf32, #tpu.memory_space<hbm>>
        %dma_start3A_95 = arith.constant 0 : i32
        %dma_start3A_96 = tpu.memref_slice %arg2[%multiple_of3A_12, %dma_start3A_95] : memref<1024x100000xf32, #tpu.memory_space<hbm>> -> memref<8x4992xf32, #tpu.memory_space<hbm>>
        tpu.enqueue_dma source(%dma_start3A_96 : memref<8x4992xf32, #tpu.memory_space<hbm>>) target(%arg6 : memref<8x4992xf32, #tpu.memory_space<vmem>>) target_semaphore(%run_scoped3A : memref<!tpu.dma_semaphore, #tpu.memory_space<semaphore_mem>>)
        %dma_wait3A = arith.constant 0 : i32
        %dma_wait3A_97 = tpu.memref_slice %arg2[%multiple_of3A_12, %dma_wait3A] : memref<1024x100000xf32, #tpu.memory_space<hbm>> -> memref<8x4992xf32, #tpu.memory_space<hbm>>
        %dma_wait3A_98 = arith.constant 0 : i32
        %dma_wait3A_99 = tpu.memref_slice %arg2[%multiple_of3A_12, %dma_wait3A_98] : memref<1024x100000xf32, #tpu.memory_space<hbm>> -> memref<8x4992xf32, #tpu.memory_space<hbm>>
        tpu.wait_dma2 semaphore(%run_scoped3A : memref<!tpu.dma_semaphore, #tpu.memory_space<semaphore_mem>>) src(%dma_wait3A_99 : memref<8x4992xf32, #tpu.memory_space<hbm>>) dst(%arg6 : memref<8x4992xf32, #tpu.memory_space<vmem>>)
        tpu.yield
      }) : () -> ()
      %slice3A = vector.extract_strided_slice %get3A_14 {offsets = [0], sizes = [1], strides = [1]} : vector<16xi32> to vector<1xi32>
      %squeeze3A = vector.extract %slice3A[0] : i32 from vector<1xi32>
      %ge3A = arith.constant 0 : i32
      %ge3A_15 = arith.cmpi sge, %squeeze3A, %ge3A : i32
      %lt3A = arith.constant 4992 : i32
      %lt3A_16 = arith.cmpi slt, %squeeze3A, %lt3A : i32
      %and3A = arith.andi %ge3A_15, %lt3A_16 : i1
      %convert_element_type3A = arith.extui %and3A : i1 to i32
      %cond3A = arith.constant 0 : i32
      %cond3A_17 = arith.cmpi ne, %convert_element_type3A, %cond3A : i32
      scf.if %cond3A_17 {
        %sub3A = arith.constant 0 : i32
        %sub3A_94 = arith.subi %squeeze3A, %sub3A : i32
        %jit3A = arith.constant 16 : i32
        %div3A = arith.divsi %sub3A_94, %jit3A : i32
        %sign3A = arith.constant 0 : i32
        %sign3A_95 = arith.cmpi sgt, %sub3A_94, %sign3A : i32
        %sign3A_96 = arith.extui %sign3A_95 : i1 to i32
        %sign3A_97 = arith.constant 0 : i32
        %sign3A_98 = arith.cmpi slt, %sub3A_94, %sign3A_97 : i32
        %sign3A_99 = arith.extui %sign3A_98 : i1 to i32
        %sign3A_100 = arith.subi %sign3A_96, %sign3A_99 : i32
        %sign3A_101 = arith.constant 0 : i32
        %sign3A_102 = arith.cmpi sgt, %jit3A, %sign3A_101 : i32
        %sign3A_103 = arith.extui %sign3A_102 : i1 to i32
        %sign3A_104 = arith.constant 0 : i32
        %sign3A_105 = arith.cmpi slt, %jit3A, %sign3A_104 : i32
        %sign3A_106 = arith.extui %sign3A_105 : i1 to i32
        %sign3A_107 = arith.subi %sign3A_103, %sign3A_106 : i32
        %ne3A = arith.cmpi ne, %sign3A_100, %sign3A_107 : i32
        %rem3A = arith.remsi %sub3A_94, %jit3A : i32
        %ne3A_108 = arith.constant 0 : i32
        %ne3A_109 = arith.cmpi ne, %rem3A, %ne3A_108 : i32
        %and3A_110 = arith.andi %ne3A, %ne3A_109 : i1
        %sub3A_111 = arith.constant 1 : i32
        %sub3A_112 = arith.subi %div3A, %sub3A_111 : i32
        %select_n3A = arith.select %and3A_110, %sub3A_112, %div3A : i32
        %mul3A_113 = arith.constant 16 : i32
        %mul3A_114 = arith.muli %select_n3A, %mul3A_113 : i32
        %get3A_115 = arith.constant 0 : i32
        %get3A_116 = arith.index_cast %get3A_115 : i32 to index
        %get3A_117 = arith.index_cast %mul3A_114 : i32 to index
        %get3A_118 = tpu.vector_load %arg6[%get3A_116, %get3A_117] {strides = array<i32>} : memref<8x4992xf32, #tpu.memory_space<vmem>>, vector<1x16xf32>,
        %get3A_119 = vector.shape_cast %get3A_118 : vector<1x16xf32> to vector<16xf32>
        %sub3A_120 = arith.subi %sub3A_94, %mul3A_114 : i32
        %eq3A = vector.broadcast %sub3A_120 : i32 to vector<16xi32>
        %eq3A_121 = arith.cmpi eq, %iota3A, %eq3A : vector<16xi32>
        %sub3A_122 = arith.constant 3.500000e-01 : f32
        %sub3A_123 = vector.broadcast %sub3A_122 : f32 to vector<16xf32>
        %sub3A_124 = arith.subf %get3A_119, %sub3A_123 : vector<16xf32>
        %select_n3A_125 = arith.select %eq3A_121, %sub3A_124, %get3A_119 : vector<16xi1>, vector<16xf32>
        %swap3A = arith.constant 0 : i32
        %swap3A_126 = arith.index_cast %swap3A : i32 to index
        %swap3A_127 = arith.index_cast %mul3A_114 : i32 to index
        %swap3A_128 = tpu.vector_load %arg6[%swap3A_126, %swap3A_127] {strides = array<i32>} : memref<8x4992xf32, #tpu.memory_space<vmem>>, vector<1x16xf32>,
        %swap3A_129 = vector.shape_cast %swap3A_128 : vector<1x16xf32> to vector<16xf32>
        %swap3A_130 = vector.shape_cast %select_n3A_125 : vector<16xf32> to vector<1x16xf32>
        tpu.vector_store %arg6[%swap3A_126, %swap3A_127], %swap3A_130 {strides = array<i32>} : memref<8x4992xf32, #tpu.memory_space<vmem>>, vector<1x16xf32>,
      } else {
      }
      %slice3A_18 = vector.extract_strided_slice %get3A_14 {offsets = [1], sizes = [1], strides = [1]} : vector<16xi32> to vector<1xi32>
      %squeeze3A_19 = vector.extract %slice3A_18[0] : i32 from vector<1xi32>
      %ge3A_20 = arith.constant 0 : i32
      %ge3A_21 = arith.cmpi sge, %squeeze3A_19, %ge3A_20 : i32
      %lt3A_22 = arith.constant 4992 : i32
      %lt3A_23 = arith.cmpi slt, %squeeze3A_19, %lt3A_22 : i32
      %and3A_24 = arith.andi %ge3A_21, %lt3A_23 : i1
      %convert_element_type3A_25 = arith.extui %and3A_24 : i1 to i32
      %cond3A_26 = arith.constant 0 : i32
      %cond3A_27 = arith.cmpi ne, %convert_element_type3A_25, %cond3A_26 : i32
      scf.if %cond3A_27 {
        %sub3A = arith.constant 0 : i32
        %sub3A_94 = arith.subi %squeeze3A_19, %sub3A : i32
        %jit3A = arith.constant 16 : i32
        %div3A = arith.divsi %sub3A_94, %jit3A : i32
        %sign3A = arith.constant 0 : i32
        %sign3A_95 = arith.cmpi sgt, %sub3A_94, %sign3A : i32
        %sign3A_96 = arith.extui %sign3A_95 : i1 to i32
        %sign3A_97 = arith.constant 0 : i32
        %sign3A_98 = arith.cmpi slt, %sub3A_94, %sign3A_97 : i32
        %sign3A_99 = arith.extui %sign3A_98 : i1 to i32
        %sign3A_100 = arith.subi %sign3A_96, %sign3A_99 : i32
        %sign3A_101 = arith.constant 0 : i32
        %sign3A_102 = arith.cmpi sgt, %jit3A, %sign3A_101 : i32
        %sign3A_103 = arith.extui %sign3A_102 : i1 to i32
        %sign3A_104 = arith.constant 0 : i32
        %sign3A_105 = arith.cmpi slt, %jit3A, %sign3A_104 : i32
        %sign3A_106 = arith.extui %sign3A_105 : i1 to i32
        %sign3A_107 = arith.subi %sign3A_103, %sign3A_106 : i32
        %ne3A = arith.cmpi ne, %sign3A_100, %sign3A_107 : i32
        %rem3A = arith.remsi %sub3A_94, %jit3A : i32
        %ne3A_108 = arith.constant 0 : i32
        %ne3A_109 = arith.cmpi ne, %rem3A, %ne3A_108 : i32
        %and3A_110 = arith.andi %ne3A, %ne3A_109 : i1
        %sub3A_111 = arith.constant 1 : i32
        %sub3A_112 = arith.subi %div3A, %sub3A_111 : i32
        %select_n3A = arith.select %and3A_110, %sub3A_112, %div3A : i32
        %mul3A_113 = arith.constant 16 : i32
        %mul3A_114 = arith.muli %select_n3A, %mul3A_113 : i32
        %get3A_115 = arith.constant 1 : i32
        %get3A_116 = arith.index_cast %get3A_115 : i32 to index
        %get3A_117 = arith.index_cast %mul3A_114 : i32 to index
        %get3A_118 = tpu.vector_load %arg6[%get3A_116, %get3A_117] {strides = array<i32>} : memref<8x4992xf32, #tpu.memory_space<vmem>>, vector<1x16xf32>,
        %get3A_119 = vector.shape_cast %get3A_118 : vector<1x16xf32> to vector<16xf32>
        %sub3A_120 = arith.subi %sub3A_94, %mul3A_114 : i32
        %eq3A = vector.broadcast %sub3A_120 : i32 to vector<16xi32>
        %eq3A_121 = arith.cmpi eq, %iota3A, %eq3A : vector<16xi32>
        %sub3A_122 = arith.constant 3.500000e-01 : f32
        %sub3A_123 = vector.broadcast %sub3A_122 : f32 to vector<16xf32>
        %sub3A_124 = arith.subf %get3A_119, %sub3A_123 : vector<16xf32>
        %select_n3A_125 = arith.select %eq3A_121, %sub3A_124, %get3A_119 : vector<16xi1>, vector<16xf32>
        %swap3A = arith.constant 1 : i32
        %swap3A_126 = arith.index_cast %swap3A : i32 to index
        %swap3A_127 = arith.index_cast %mul3A_114 : i32 to index
        %swap3A_128 = tpu.vector_load %arg6[%swap3A_126, %swap3A_127] {strides = array<i32>} : memref<8x4992xf32, #tpu.memory_space<vmem>>, vector<1x16xf32>,
        %swap3A_129 = vector.shape_cast %swap3A_128 : vector<1x16xf32> to vector<16xf32>
        %swap3A_130 = vector.shape_cast %select_n3A_125 : vector<16xf32> to vector<1x16xf32>
        tpu.vector_store %arg6[%swap3A_126, %swap3A_127], %swap3A_130 {strides = array<i32>} : memref<8x4992xf32, #tpu.memory_space<vmem>>, vector<1x16xf32>,
      } else {
      }
      %slice3A_28 = vector.extract_strided_slice %get3A_14 {offsets = [2], sizes = [1], strides = [1]} : vector<16xi32> to vector<1xi32>
      %squeeze3A_29 = vector.extract %slice3A_28[0] : i32 from vector<1xi32>
      %ge3A_30 = arith.constant 0 : i32
      %ge3A_31 = arith.cmpi sge, %squeeze3A_29, %ge3A_30 : i32
      %lt3A_32 = arith.constant 4992 : i32
      %lt3A_33 = arith.cmpi slt, %squeeze3A_29, %lt3A_32 : i32
      %and3A_34 = arith.andi %ge3A_31, %lt3A_33 : i1
      %convert_element_type3A_35 = arith.extui %and3A_34 : i1 to i32
      %cond3A_36 = arith.constant 0 : i32
      %cond3A_37 = arith.cmpi ne, %convert_element_type3A_35, %cond3A_36 : i32
      scf.if %cond3A_37 {
        %sub3A = arith.constant 0 : i32
        %sub3A_94 = arith.subi %squeeze3A_29, %sub3A : i32
        %jit3A = arith.constant 16 : i32
        %div3A = arith.divsi %sub3A_94, %jit3A : i32
        %sign3A = arith.constant 0 : i32
        %sign3A_95 = arith.cmpi sgt, %sub3A_94, %sign3A : i32
        %sign3A_96 = arith.extui %sign3A_95 : i1 to i32
        %sign3A_97 = arith.constant 0 : i32
        %sign3A_98 = arith.cmpi slt, %sub3A_94, %sign3A_97 : i32
        %sign3A_99 = arith.extui %sign3A_98 : i1 to i32
        %sign3A_100 = arith.subi %sign3A_96, %sign3A_99 : i32
        %sign3A_101 = arith.constant 0 : i32
        %sign3A_102 = arith.cmpi sgt, %jit3A, %sign3A_101 : i32
        %sign3A_103 = arith.extui %sign3A_102 : i1 to i32
        %sign3A_104 = arith.constant 0 : i32
        %sign3A_105 = arith.cmpi slt, %jit3A, %sign3A_104 : i32
        %sign3A_106 = arith.extui %sign3A_105 : i1 to i32
        %sign3A_107 = arith.subi %sign3A_103, %sign3A_106 : i32
        %ne3A = arith.cmpi ne, %sign3A_100, %sign3A_107 : i32
        %rem3A = arith.remsi %sub3A_94, %jit3A : i32
        %ne3A_108 = arith.constant 0 : i32
        %ne3A_109 = arith.cmpi ne, %rem3A, %ne3A_108 : i32
        %and3A_110 = arith.andi %ne3A, %ne3A_109 : i1
        %sub3A_111 = arith.constant 1 : i32
        %sub3A_112 = arith.subi %div3A, %sub3A_111 : i32
        %select_n3A = arith.select %and3A_110, %sub3A_112, %div3A : i32
        %mul3A_113 = arith.constant 16 : i32
        %mul3A_114 = arith.muli %select_n3A, %mul3A_113 : i32
        %get3A_115 = arith.constant 2 : i32
        %get3A_116 = arith.index_cast %get3A_115 : i32 to index
        %get3A_117 = arith.index_cast %mul3A_114 : i32 to index
        %get3A_118 = tpu.vector_load %arg6[%get3A_116, %get3A_117] {strides = array<i32>} : memref<8x4992xf32, #tpu.memory_space<vmem>>, vector<1x16xf32>,
        %get3A_119 = vector.shape_cast %get3A_118 : vector<1x16xf32> to vector<16xf32>
        %sub3A_120 = arith.subi %sub3A_94, %mul3A_114 : i32
        %eq3A = vector.broadcast %sub3A_120 : i32 to vector<16xi32>
        %eq3A_121 = arith.cmpi eq, %iota3A, %eq3A : vector<16xi32>
        %sub3A_122 = arith.constant 3.500000e-01 : f32
        %sub3A_123 = vector.broadcast %sub3A_122 : f32 to vector<16xf32>
        %sub3A_124 = arith.subf %get3A_119, %sub3A_123 : vector<16xf32>
        %select_n3A_125 = arith.select %eq3A_121, %sub3A_124, %get3A_119 : vector<16xi1>, vector<16xf32>
        %swap3A = arith.constant 2 : i32
        %swap3A_126 = arith.index_cast %swap3A : i32 to index
        %swap3A_127 = arith.index_cast %mul3A_114 : i32 to index
        %swap3A_128 = tpu.vector_load %arg6[%swap3A_126, %swap3A_127] {strides = array<i32>} : memref<8x4992xf32, #tpu.memory_space<vmem>>, vector<1x16xf32>,
        %swap3A_129 = vector.shape_cast %swap3A_128 : vector<1x16xf32> to vector<16xf32>
        %swap3A_130 = vector.shape_cast %select_n3A_125 : vector<16xf32> to vector<1x16xf32>
        tpu.vector_store %arg6[%swap3A_126, %swap3A_127], %swap3A_130 {strides = array<i32>} : memref<8x4992xf32, #tpu.memory_space<vmem>>, vector<1x16xf32>,
      } else {
      }
      %slice3A_38 = vector.extract_strided_slice %get3A_14 {offsets = [3], sizes = [1], strides = [1]} : vector<16xi32> to vector<1xi32>
      %squeeze3A_39 = vector.extract %slice3A_38[0] : i32 from vector<1xi32>
      %ge3A_40 = arith.constant 0 : i32
      %ge3A_41 = arith.cmpi sge, %squeeze3A_39, %ge3A_40 : i32
      %lt3A_42 = arith.constant 4992 : i32
      %lt3A_43 = arith.cmpi slt, %squeeze3A_39, %lt3A_42 : i32
      %and3A_44 = arith.andi %ge3A_41, %lt3A_43 : i1
      %convert_element_type3A_45 = arith.extui %and3A_44 : i1 to i32
      %cond3A_46 = arith.constant 0 : i32
      %cond3A_47 = arith.cmpi ne, %convert_element_type3A_45, %cond3A_46 : i32
      scf.if %cond3A_47 {
        %sub3A = arith.constant 0 : i32
        %sub3A_94 = arith.subi %squeeze3A_39, %sub3A : i32
        %jit3A = arith.constant 16 : i32
        %div3A = arith.divsi %sub3A_94, %jit3A : i32
        %sign3A = arith.constant 0 : i32
        %sign3A_95 = arith.cmpi sgt, %sub3A_94, %sign3A : i32
        %sign3A_96 = arith.extui %sign3A_95 : i1 to i32
        %sign3A_97 = arith.constant 0 : i32
        %sign3A_98 = arith.cmpi slt, %sub3A_94, %sign3A_97 : i32
        %sign3A_99 = arith.extui %sign3A_98 : i1 to i32
        %sign3A_100 = arith.subi %sign3A_96, %sign3A_99 : i32
        %sign3A_101 = arith.constant 0 : i32
        %sign3A_102 = arith.cmpi sgt, %jit3A, %sign3A_101 : i32
        %sign3A_103 = arith.extui %sign3A_102 : i1 to i32
        %sign3A_104 = arith.constant 0 : i32
        %sign3A_105 = arith.cmpi slt, %jit3A, %sign3A_104 : i32
        %sign3A_106 = arith.extui %sign3A_105 : i1 to i32
        %sign3A_107 = arith.subi %sign3A_103, %sign3A_106 : i32
        %ne3A = arith.cmpi ne, %sign3A_100, %sign3A_107 : i32
        %rem3A = arith.remsi %sub3A_94, %jit3A : i32
        %ne3A_108 = arith.constant 0 : i32
        %ne3A_109 = arith.cmpi ne, %rem3A, %ne3A_108 : i32
        %and3A_110 = arith.andi %ne3A, %ne3A_109 : i1
        %sub3A_111 = arith.constant 1 : i32
        %sub3A_112 = arith.subi %div3A, %sub3A_111 : i32
        %select_n3A = arith.select %and3A_110, %sub3A_112, %div3A : i32
        %mul3A_113 = arith.constant 16 : i32
        %mul3A_114 = arith.muli %select_n3A, %mul3A_113 : i32
        %get3A_115 = arith.constant 3 : i32
        %get3A_116 = arith.index_cast %get3A_115 : i32 to index
        %get3A_117 = arith.index_cast %mul3A_114 : i32 to index
        %get3A_118 = tpu.vector_load %arg6[%get3A_116, %get3A_117] {strides = array<i32>} : memref<8x4992xf32, #tpu.memory_space<vmem>>, vector<1x16xf32>,
        %get3A_119 = vector.shape_cast %get3A_118 : vector<1x16xf32> to vector<16xf32>
        %sub3A_120 = arith.subi %sub3A_94, %mul3A_114 : i32
        %eq3A = vector.broadcast %sub3A_120 : i32 to vector<16xi32>
        %eq3A_121 = arith.cmpi eq, %iota3A, %eq3A : vector<16xi32>
        %sub3A_122 = arith.constant 3.500000e-01 : f32
        %sub3A_123 = vector.broadcast %sub3A_122 : f32 to vector<16xf32>
        %sub3A_124 = arith.subf %get3A_119, %sub3A_123 : vector<16xf32>
        %select_n3A_125 = arith.select %eq3A_121, %sub3A_124, %get3A_119 : vector<16xi1>, vector<16xf32>
        %swap3A = arith.constant 3 : i32
        %swap3A_126 = arith.index_cast %swap3A : i32 to index
        %swap3A_127 = arith.index_cast %mul3A_114 : i32 to index
        %swap3A_128 = tpu.vector_load %arg6[%swap3A_126, %swap3A_127] {strides = array<i32>} : memref<8x4992xf32, #tpu.memory_space<vmem>>, vector<1x16xf32>,
        %swap3A_129 = vector.shape_cast %swap3A_128 : vector<1x16xf32> to vector<16xf32>
        %swap3A_130 = vector.shape_cast %select_n3A_125 : vector<16xf32> to vector<1x16xf32>
        tpu.vector_store %arg6[%swap3A_126, %swap3A_127], %swap3A_130 {strides = array<i32>} : memref<8x4992xf32, #tpu.memory_space<vmem>>, vector<1x16xf32>,
      } else {
      }
      %slice3A_48 = vector.extract_strided_slice %get3A_14 {offsets = [4], sizes = [1], strides = [1]} : vector<16xi32> to vector<1xi32>
      %squeeze3A_49 = vector.extract %slice3A_48[0] : i32 from vector<1xi32>
      %ge3A_50 = arith.constant 0 : i32
      %ge3A_51 = arith.cmpi sge, %squeeze3A_49, %ge3A_50 : i32
      %lt3A_52 = arith.constant 4992 : i32
      %lt3A_53 = arith.cmpi slt, %squeeze3A_49, %lt3A_52 : i32
      %and3A_54 = arith.andi %ge3A_51, %lt3A_53 : i1
      %convert_element_type3A_55 = arith.extui %and3A_54 : i1 to i32
      %cond3A_56 = arith.constant 0 : i32
      %cond3A_57 = arith.cmpi ne, %convert_element_type3A_55, %cond3A_56 : i32
      scf.if %cond3A_57 {
        %sub3A = arith.constant 0 : i32
        %sub3A_94 = arith.subi %squeeze3A_49, %sub3A : i32
        %jit3A = arith.constant 16 : i32
        %div3A = arith.divsi %sub3A_94, %jit3A : i32
        %sign3A = arith.constant 0 : i32
        %sign3A_95 = arith.cmpi sgt, %sub3A_94, %sign3A : i32
        %sign3A_96 = arith.extui %sign3A_95 : i1 to i32
        %sign3A_97 = arith.constant 0 : i32
        %sign3A_98 = arith.cmpi slt, %sub3A_94, %sign3A_97 : i32
        %sign3A_99 = arith.extui %sign3A_98 : i1 to i32
        %sign3A_100 = arith.subi %sign3A_96, %sign3A_99 : i32
        %sign3A_101 = arith.constant 0 : i32
        %sign3A_102 = arith.cmpi sgt, %jit3A, %sign3A_101 : i32
        %sign3A_103 = arith.extui %sign3A_102 : i1 to i32
        %sign3A_104 = arith.constant 0 : i32
        %sign3A_105 = arith.cmpi slt, %jit3A, %sign3A_104 : i32
        %sign3A_106 = arith.extui %sign3A_105 : i1 to i32
        %sign3A_107 = arith.subi %sign3A_103, %sign3A_106 : i32
        %ne3A = arith.cmpi ne, %sign3A_100, %sign3A_107 : i32
        %rem3A = arith.remsi %sub3A_94, %jit3A : i32
        %ne3A_108 = arith.constant 0 : i32
        %ne3A_109 = arith.cmpi ne, %rem3A, %ne3A_108 : i32
        %and3A_110 = arith.andi %ne3A, %ne3A_109 : i1
        %sub3A_111 = arith.constant 1 : i32
        %sub3A_112 = arith.subi %div3A, %sub3A_111 : i32
        %select_n3A = arith.select %and3A_110, %sub3A_112, %div3A : i32
        %mul3A_113 = arith.constant 16 : i32
        %mul3A_114 = arith.muli %select_n3A, %mul3A_113 : i32
        %get3A_115 = arith.constant 4 : i32
        %get3A_116 = arith.index_cast %get3A_115 : i32 to index
        %get3A_117 = arith.index_cast %mul3A_114 : i32 to index
        %get3A_118 = tpu.vector_load %arg6[%get3A_116, %get3A_117] {strides = array<i32>} : memref<8x4992xf32, #tpu.memory_space<vmem>>, vector<1x16xf32>,
        %get3A_119 = vector.shape_cast %get3A_118 : vector<1x16xf32> to vector<16xf32>
        %sub3A_120 = arith.subi %sub3A_94, %mul3A_114 : i32
        %eq3A = vector.broadcast %sub3A_120 : i32 to vector<16xi32>
        %eq3A_121 = arith.cmpi eq, %iota3A, %eq3A : vector<16xi32>
        %sub3A_122 = arith.constant 3.500000e-01 : f32
        %sub3A_123 = vector.broadcast %sub3A_122 : f32 to vector<16xf32>
        %sub3A_124 = arith.subf %get3A_119, %sub3A_123 : vector<16xf32>
        %select_n3A_125 = arith.select %eq3A_121, %sub3A_124, %get3A_119 : vector<16xi1>, vector<16xf32>
        %swap3A = arith.constant 4 : i32
        %swap3A_126 = arith.index_cast %swap3A : i32 to index
        %swap3A_127 = arith.index_cast %mul3A_114 : i32 to index
        %swap3A_128 = tpu.vector_load %arg6[%swap3A_126, %swap3A_127] {strides = array<i32>} : memref<8x4992xf32, #tpu.memory_space<vmem>>, vector<1x16xf32>,
        %swap3A_129 = vector.shape_cast %swap3A_128 : vector<1x16xf32> to vector<16xf32>
        %swap3A_130 = vector.shape_cast %select_n3A_125 : vector<16xf32> to vector<1x16xf32>
        tpu.vector_store %arg6[%swap3A_126, %swap3A_127], %swap3A_130 {strides = array<i32>} : memref<8x4992xf32, #tpu.memory_space<vmem>>, vector<1x16xf32>,
      } else {
      }
      %slice3A_58 = vector.extract_strided_slice %get3A_14 {offsets = [5], sizes = [1], strides = [1]} : vector<16xi32> to vector<1xi32>
      %squeeze3A_59 = vector.extract %slice3A_58[0] : i32 from vector<1xi32>
      %ge3A_60 = arith.constant 0 : i32
      %ge3A_61 = arith.cmpi sge, %squeeze3A_59, %ge3A_60 : i32
      %lt3A_62 = arith.constant 4992 : i32
      %lt3A_63 = arith.cmpi slt, %squeeze3A_59, %lt3A_62 : i32
      %and3A_64 = arith.andi %ge3A_61, %lt3A_63 : i1
      %convert_element_type3A_65 = arith.extui %and3A_64 : i1 to i32
      %cond3A_66 = arith.constant 0 : i32
      %cond3A_67 = arith.cmpi ne, %convert_element_type3A_65, %cond3A_66 : i32
      scf.if %cond3A_67 {
        %sub3A = arith.constant 0 : i32
        %sub3A_94 = arith.subi %squeeze3A_59, %sub3A : i32
        %jit3A = arith.constant 16 : i32
        %div3A = arith.divsi %sub3A_94, %jit3A : i32
        %sign3A = arith.constant 0 : i32
        %sign3A_95 = arith.cmpi sgt, %sub3A_94, %sign3A : i32
        %sign3A_96 = arith.extui %sign3A_95 : i1 to i32
        %sign3A_97 = arith.constant 0 : i32
        %sign3A_98 = arith.cmpi slt, %sub3A_94, %sign3A_97 : i32
        %sign3A_99 = arith.extui %sign3A_98 : i1 to i32
        %sign3A_100 = arith.subi %sign3A_96, %sign3A_99 : i32
        %sign3A_101 = arith.constant 0 : i32
        %sign3A_102 = arith.cmpi sgt, %jit3A, %sign3A_101 : i32
        %sign3A_103 = arith.extui %sign3A_102 : i1 to i32
        %sign3A_104 = arith.constant 0 : i32
        %sign3A_105 = arith.cmpi slt, %jit3A, %sign3A_104 : i32
        %sign3A_106 = arith.extui %sign3A_105 : i1 to i32
        %sign3A_107 = arith.subi %sign3A_103, %sign3A_106 : i32
        %ne3A = arith.cmpi ne, %sign3A_100, %sign3A_107 : i32
        %rem3A = arith.remsi %sub3A_94, %jit3A : i32
        %ne3A_108 = arith.constant 0 : i32
        %ne3A_109 = arith.cmpi ne, %rem3A, %ne3A_108 : i32
        %and3A_110 = arith.andi %ne3A, %ne3A_109 : i1
        %sub3A_111 = arith.constant 1 : i32
        %sub3A_112 = arith.subi %div3A, %sub3A_111 : i32
        %select_n3A = arith.select %and3A_110, %sub3A_112, %div3A : i32
        %mul3A_113 = arith.constant 16 : i32
        %mul3A_114 = arith.muli %select_n3A, %mul3A_113 : i32
        %get3A_115 = arith.constant 5 : i32
        %get3A_116 = arith.index_cast %get3A_115 : i32 to index
        %get3A_117 = arith.index_cast %mul3A_114 : i32 to index
        %get3A_118 = tpu.vector_load %arg6[%get3A_116, %get3A_117] {strides = array<i32>} : memref<8x4992xf32, #tpu.memory_space<vmem>>, vector<1x16xf32>,
        %get3A_119 = vector.shape_cast %get3A_118 : vector<1x16xf32> to vector<16xf32>
        %sub3A_120 = arith.subi %sub3A_94, %mul3A_114 : i32
        %eq3A = vector.broadcast %sub3A_120 : i32 to vector<16xi32>
        %eq3A_121 = arith.cmpi eq, %iota3A, %eq3A : vector<16xi32>
        %sub3A_122 = arith.constant 3.500000e-01 : f32
        %sub3A_123 = vector.broadcast %sub3A_122 : f32 to vector<16xf32>
        %sub3A_124 = arith.subf %get3A_119, %sub3A_123 : vector<16xf32>
        %select_n3A_125 = arith.select %eq3A_121, %sub3A_124, %get3A_119 : vector<16xi1>, vector<16xf32>
        %swap3A = arith.constant 5 : i32
        %swap3A_126 = arith.index_cast %swap3A : i32 to index
        %swap3A_127 = arith.index_cast %mul3A_114 : i32 to index
        %swap3A_128 = tpu.vector_load %arg6[%swap3A_126, %swap3A_127] {strides = array<i32>} : memref<8x4992xf32, #tpu.memory_space<vmem>>, vector<1x16xf32>,
        %swap3A_129 = vector.shape_cast %swap3A_128 : vector<1x16xf32> to vector<16xf32>
        %swap3A_130 = vector.shape_cast %select_n3A_125 : vector<16xf32> to vector<1x16xf32>
        tpu.vector_store %arg6[%swap3A_126, %swap3A_127], %swap3A_130 {strides = array<i32>} : memref<8x4992xf32, #tpu.memory_space<vmem>>, vector<1x16xf32>,
      } else {
      }
      %slice3A_68 = vector.extract_strided_slice %get3A_14 {offsets = [6], sizes = [1], strides = [1]} : vector<16xi32> to vector<1xi32>
      %squeeze3A_69 = vector.extract %slice3A_68[0] : i32 from vector<1xi32>
      %ge3A_70 = arith.constant 0 : i32
      %ge3A_71 = arith.cmpi sge, %squeeze3A_69, %ge3A_70 : i32
      %lt3A_72 = arith.constant 4992 : i32
      %lt3A_73 = arith.cmpi slt, %squeeze3A_69, %lt3A_72 : i32
      %and3A_74 = arith.andi %ge3A_71, %lt3A_73 : i1
      %convert_element_type3A_75 = arith.extui %and3A_74 : i1 to i32
      %cond3A_76 = arith.constant 0 : i32
      %cond3A_77 = arith.cmpi ne, %convert_element_type3A_75, %cond3A_76 : i32
      scf.if %cond3A_77 {
        %sub3A = arith.constant 0 : i32
        %sub3A_94 = arith.subi %squeeze3A_69, %sub3A : i32
        %jit3A = arith.constant 16 : i32
        %div3A = arith.divsi %sub3A_94, %jit3A : i32
        %sign3A = arith.constant 0 : i32
        %sign3A_95 = arith.cmpi sgt, %sub3A_94, %sign3A : i32
        %sign3A_96 = arith.extui %sign3A_95 : i1 to i32
        %sign3A_97 = arith.constant 0 : i32
        %sign3A_98 = arith.cmpi slt, %sub3A_94, %sign3A_97 : i32
        %sign3A_99 = arith.extui %sign3A_98 : i1 to i32
        %sign3A_100 = arith.subi %sign3A_96, %sign3A_99 : i32
        %sign3A_101 = arith.constant 0 : i32
        %sign3A_102 = arith.cmpi sgt, %jit3A, %sign3A_101 : i32
        %sign3A_103 = arith.extui %sign3A_102 : i1 to i32
        %sign3A_104 = arith.constant 0 : i32
        %sign3A_105 = arith.cmpi slt, %jit3A, %sign3A_104 : i32
        %sign3A_106 = arith.extui %sign3A_105 : i1 to i32
        %sign3A_107 = arith.subi %sign3A_103, %sign3A_106 : i32
        %ne3A = arith.cmpi ne, %sign3A_100, %sign3A_107 : i32
        %rem3A = arith.remsi %sub3A_94, %jit3A : i32
        %ne3A_108 = arith.constant 0 : i32
        %ne3A_109 = arith.cmpi ne, %rem3A, %ne3A_108 : i32
        %and3A_110 = arith.andi %ne3A, %ne3A_109 : i1
        %sub3A_111 = arith.constant 1 : i32
        %sub3A_112 = arith.subi %div3A, %sub3A_111 : i32
        %select_n3A = arith.select %and3A_110, %sub3A_112, %div3A : i32
        %mul3A_113 = arith.constant 16 : i32
        %mul3A_114 = arith.muli %select_n3A, %mul3A_113 : i32
        %get3A_115 = arith.constant 6 : i32
        %get3A_116 = arith.index_cast %get3A_115 : i32 to index
        %get3A_117 = arith.index_cast %mul3A_114 : i32 to index
        %get3A_118 = tpu.vector_load %arg6[%get3A_116, %get3A_117] {strides = array<i32>} : memref<8x4992xf32, #tpu.memory_space<vmem>>, vector<1x16xf32>,
        %get3A_119 = vector.shape_cast %get3A_118 : vector<1x16xf32> to vector<16xf32>
        %sub3A_120 = arith.subi %sub3A_94, %mul3A_114 : i32
        %eq3A = vector.broadcast %sub3A_120 : i32 to vector<16xi32>
        %eq3A_121 = arith.cmpi eq, %iota3A, %eq3A : vector<16xi32>
        %sub3A_122 = arith.constant 3.500000e-01 : f32
        %sub3A_123 = vector.broadcast %sub3A_122 : f32 to vector<16xf32>
        %sub3A_124 = arith.subf %get3A_119, %sub3A_123 : vector<16xf32>
        %select_n3A_125 = arith.select %eq3A_121, %sub3A_124, %get3A_119 : vector<16xi1>, vector<16xf32>
        %swap3A = arith.constant 6 : i32
        %swap3A_126 = arith.index_cast %swap3A : i32 to index
        %swap3A_127 = arith.index_cast %mul3A_114 : i32 to index
        %swap3A_128 = tpu.vector_load %arg6[%swap3A_126, %swap3A_127] {strides = array<i32>} : memref<8x4992xf32, #tpu.memory_space<vmem>>, vector<1x16xf32>,
        %swap3A_129 = vector.shape_cast %swap3A_128 : vector<1x16xf32> to vector<16xf32>
        %swap3A_130 = vector.shape_cast %select_n3A_125 : vector<16xf32> to vector<1x16xf32>
        tpu.vector_store %arg6[%swap3A_126, %swap3A_127], %swap3A_130 {strides = array<i32>} : memref<8x4992xf32, #tpu.memory_space<vmem>>, vector<1x16xf32>,
      } else {
      }
      %slice3A_78 = vector.extract_strided_slice %get3A_14 {offsets = [7], sizes = [1], strides = [1]} : vector<16xi32> to vector<1xi32>
      %squeeze3A_79 = vector.extract %slice3A_78[0] : i32 from vector<1xi32>
      %ge3A_80 = arith.constant 0 : i32
      %ge3A_81 = arith.cmpi sge, %squeeze3A_79, %ge3A_80 : i32
      %lt3A_82 = arith.constant 4992 : i32
      %lt3A_83 = arith.cmpi slt, %squeeze3A_79, %lt3A_82 : i32
      %and3A_84 = arith.andi %ge3A_81, %lt3A_83 : i1
      %convert_element_type3A_85 = arith.extui %and3A_84 : i1 to i32
      %cond3A_86 = arith.constant 0 : i32
      %cond3A_87 = arith.cmpi ne, %convert_element_type3A_85, %cond3A_86 : i32
      scf.if %cond3A_87 {
        %sub3A = arith.constant 0 : i32
        %sub3A_94 = arith.subi %squeeze3A_79, %sub3A : i32
        %jit3A = arith.constant 16 : i32
        %div3A = arith.divsi %sub3A_94, %jit3A : i32
        %sign3A = arith.constant 0 : i32
        %sign3A_95 = arith.cmpi sgt, %sub3A_94, %sign3A : i32
        %sign3A_96 = arith.extui %sign3A_95 : i1 to i32
        %sign3A_97 = arith.constant 0 : i32
        %sign3A_98 = arith.cmpi slt, %sub3A_94, %sign3A_97 : i32
        %sign3A_99 = arith.extui %sign3A_98 : i1 to i32
        %sign3A_100 = arith.subi %sign3A_96, %sign3A_99 : i32
        %sign3A_101 = arith.constant 0 : i32
        %sign3A_102 = arith.cmpi sgt, %jit3A, %sign3A_101 : i32
        %sign3A_103 = arith.extui %sign3A_102 : i1 to i32
        %sign3A_104 = arith.constant 0 : i32
        %sign3A_105 = arith.cmpi slt, %jit3A, %sign3A_104 : i32
        %sign3A_106 = arith.extui %sign3A_105 : i1 to i32
        %sign3A_107 = arith.subi %sign3A_103, %sign3A_106 : i32
        %ne3A = arith.cmpi ne, %sign3A_100, %sign3A_107 : i32
        %rem3A = arith.remsi %sub3A_94, %jit3A : i32
        %ne3A_108 = arith.constant 0 : i32
        %ne3A_109 = arith.cmpi ne, %rem3A, %ne3A_108 : i32
        %and3A_110 = arith.andi %ne3A, %ne3A_109 : i1
        %sub3A_111 = arith.constant 1 : i32
        %sub3A_112 = arith.subi %div3A, %sub3A_111 : i32
        %select_n3A = arith.select %and3A_110, %sub3A_112, %div3A : i32
        %mul3A_113 = arith.constant 16 : i32
        %mul3A_114 = arith.muli %select_n3A, %mul3A_113 : i32
        %get3A_115 = arith.constant 7 : i32
        %get3A_116 = arith.index_cast %get3A_115 : i32 to index
        %get3A_117 = arith.index_cast %mul3A_114 : i32 to index
        %get3A_118 = tpu.vector_load %arg6[%get3A_116, %get3A_117] {strides = array<i32>} : memref<8x4992xf32, #tpu.memory_space<vmem>>, vector<1x16xf32>,
        %get3A_119 = vector.shape_cast %get3A_118 : vector<1x16xf32> to vector<16xf32>
        %sub3A_120 = arith.subi %sub3A_94, %mul3A_114 : i32
        %eq3A = vector.broadcast %sub3A_120 : i32 to vector<16xi32>
        %eq3A_121 = arith.cmpi eq, %iota3A, %eq3A : vector<16xi32>
        %sub3A_122 = arith.constant 3.500000e-01 : f32
        %sub3A_123 = vector.broadcast %sub3A_122 : f32 to vector<16xf32>
        %sub3A_124 = arith.subf %get3A_119, %sub3A_123 : vector<16xf32>
        %select_n3A_125 = arith.select %eq3A_121, %sub3A_124, %get3A_119 : vector<16xi1>, vector<16xf32>
        %swap3A = arith.constant 7 : i32
        %swap3A_126 = arith.index_cast %swap3A : i32 to index
        %swap3A_127 = arith.index_cast %mul3A_114 : i32 to index
        %swap3A_128 = tpu.vector_load %arg6[%swap3A_126, %swap3A_127] {strides = array<i32>} : memref<8x4992xf32, #tpu.memory_space<vmem>>, vector<1x16xf32>,
        %swap3A_129 = vector.shape_cast %swap3A_128 : vector<1x16xf32> to vector<16xf32>
        %swap3A_130 = vector.shape_cast %select_n3A_125 : vector<16xf32> to vector<1x16xf32>
        tpu.vector_store %arg6[%swap3A_126, %swap3A_127], %swap3A_130 {strides = array<i32>} : memref<8x4992xf32, #tpu.memory_space<vmem>>, vector<1x16xf32>,
      } else {
      }
      %scan3A_88 = arith.constant 0 : i32
      %scan3A_89 = arith.constant 0 : i32
      %scan3A_90 = arith.constant 312 : i32
      %scan3A_91 = arith.addi %scan3A_89, %scan3A_90 : i32
      %scan3A_92 = arith.constant 1 : i32
      scf.for %scan3A_94 = %scan3A_89 to %scan3A_91 step %scan3A_92  : i32 {
        %mul3A_95 = arith.constant 16 : i32
        %mul3A_96 = arith.muli %scan3A_94, %mul3A_95 : i32
        %get3A_97 = arith.constant 0 : i32
        %get3A_98 = arith.index_cast %get3A_97 : i32 to index
        %get3A_99 = arith.index_cast %mul3A_96 : i32 to index
        %get3A_100 = tpu.vector_load %arg6[%get3A_98, %get3A_99] {strides = array<i32>} : memref<8x4992xf32, #tpu.memory_space<vmem>>, vector<1x16xf32>,
        %get3A_101 = vector.shape_cast %get3A_100 : vector<1x16xf32> to vector<16xf32>
        %mul3A_102 = arith.constant 6.400000e+01 : f32
        %mul3A_103 = vector.broadcast %mul3A_102 : f32 to vector<16xf32>
        %mul3A_104 = arith.mulf %get3A_101, %mul3A_103 : vector<16xf32>
        %swap3A = arith.constant 0 : i32
        %swap3A_105 = arith.index_cast %swap3A : i32 to index
        %swap3A_106 = arith.index_cast %mul3A_96 : i32 to index
        %swap3A_107 = tpu.vector_load %arg6[%swap3A_105, %swap3A_106] {strides = array<i32>} : memref<8x4992xf32, #tpu.memory_space<vmem>>, vector<1x16xf32>,
        %swap3A_108 = vector.shape_cast %swap3A_107 : vector<1x16xf32> to vector<16xf32>
        %swap3A_109 = vector.shape_cast %mul3A_104 : vector<16xf32> to vector<1x16xf32>
        tpu.vector_store %arg6[%swap3A_105, %swap3A_106], %swap3A_109 {strides = array<i32>} : memref<8x4992xf32, #tpu.memory_space<vmem>>, vector<1x16xf32>,
        %mul3A_110 = arith.constant 16 : i32
        %mul3A_111 = arith.muli %scan3A_94, %mul3A_110 : i32
        %get3A_112 = arith.constant 1 : i32
        %get3A_113 = arith.index_cast %get3A_112 : i32 to index
        %get3A_114 = arith.index_cast %mul3A_111 : i32 to index
        %get3A_115 = tpu.vector_load %arg6[%get3A_113, %get3A_114] {strides = array<i32>} : memref<8x4992xf32, #tpu.memory_space<vmem>>, vector<1x16xf32>,
        %get3A_116 = vector.shape_cast %get3A_115 : vector<1x16xf32> to vector<16xf32>
        %mul3A_117 = arith.constant 6.400000e+01 : f32
        %mul3A_118 = vector.broadcast %mul3A_117 : f32 to vector<16xf32>
        %mul3A_119 = arith.mulf %get3A_116, %mul3A_118 : vector<16xf32>
        %swap3A_120 = arith.constant 1 : i32
        %swap3A_121 = arith.index_cast %swap3A_120 : i32 to index
        %swap3A_122 = arith.index_cast %mul3A_111 : i32 to index
        %swap3A_123 = tpu.vector_load %arg6[%swap3A_121, %swap3A_122] {strides = array<i32>} : memref<8x4992xf32, #tpu.memory_space<vmem>>, vector<1x16xf32>,
        %swap3A_124 = vector.shape_cast %swap3A_123 : vector<1x16xf32> to vector<16xf32>
        %swap3A_125 = vector.shape_cast %mul3A_119 : vector<16xf32> to vector<1x16xf32>
        tpu.vector_store %arg6[%swap3A_121, %swap3A_122], %swap3A_125 {strides = array<i32>} : memref<8x4992xf32, #tpu.memory_space<vmem>>, vector<1x16xf32>,
        %mul3A_126 = arith.constant 16 : i32
        %mul3A_127 = arith.muli %scan3A_94, %mul3A_126 : i32
        %get3A_128 = arith.constant 2 : i32
        %get3A_129 = arith.index_cast %get3A_128 : i32 to index
        %get3A_130 = arith.index_cast %mul3A_127 : i32 to index
        %get3A_131 = tpu.vector_load %arg6[%get3A_129, %get3A_130] {strides = array<i32>} : memref<8x4992xf32, #tpu.memory_space<vmem>>, vector<1x16xf32>,
        %get3A_132 = vector.shape_cast %get3A_131 : vector<1x16xf32> to vector<16xf32>
        %mul3A_133 = arith.constant 6.400000e+01 : f32
        %mul3A_134 = vector.broadcast %mul3A_133 : f32 to vector<16xf32>
        %mul3A_135 = arith.mulf %get3A_132, %mul3A_134 : vector<16xf32>
        %swap3A_136 = arith.constant 2 : i32
        %swap3A_137 = arith.index_cast %swap3A_136 : i32 to index
        %swap3A_138 = arith.index_cast %mul3A_127 : i32 to index
        %swap3A_139 = tpu.vector_load %arg6[%swap3A_137, %swap3A_138] {strides = array<i32>} : memref<8x4992xf32, #tpu.memory_space<vmem>>, vector<1x16xf32>,
        %swap3A_140 = vector.shape_cast %swap3A_139 : vector<1x16xf32> to vector<16xf32>
        %swap3A_141 = vector.shape_cast %mul3A_135 : vector<16xf32> to vector<1x16xf32>
        tpu.vector_store %arg6[%swap3A_137, %swap3A_138], %swap3A_141 {strides = array<i32>} : memref<8x4992xf32, #tpu.memory_space<vmem>>, vector<1x16xf32>,
        %mul3A_142 = arith.constant 16 : i32
        %mul3A_143 = arith.muli %scan3A_94, %mul3A_142 : i32
        %get3A_144 = arith.constant 3 : i32
        %get3A_145 = arith.index_cast %get3A_144 : i32 to index
        %get3A_146 = arith.index_cast %mul3A_143 : i32 to index
        %get3A_147 = tpu.vector_load %arg6[%get3A_145, %get3A_146] {strides = array<i32>} : memref<8x4992xf32, #tpu.memory_space<vmem>>, vector<1x16xf32>,
        %get3A_148 = vector.shape_cast %get3A_147 : vector<1x16xf32> to vector<16xf32>
        %mul3A_149 = arith.constant 6.400000e+01 : f32
        %mul3A_150 = vector.broadcast %mul3A_149 : f32 to vector<16xf32>
        %mul3A_151 = arith.mulf %get3A_148, %mul3A_150 : vector<16xf32>
        %swap3A_152 = arith.constant 3 : i32
        %swap3A_153 = arith.index_cast %swap3A_152 : i32 to index
        %swap3A_154 = arith.index_cast %mul3A_143 : i32 to index
        %swap3A_155 = tpu.vector_load %arg6[%swap3A_153, %swap3A_154] {strides = array<i32>} : memref<8x4992xf32, #tpu.memory_space<vmem>>, vector<1x16xf32>,
        %swap3A_156 = vector.shape_cast %swap3A_155 : vector<1x16xf32> to vector<16xf32>
        %swap3A_157 = vector.shape_cast %mul3A_151 : vector<16xf32> to vector<1x16xf32>
        tpu.vector_store %arg6[%swap3A_153, %swap3A_154], %swap3A_157 {strides = array<i32>} : memref<8x4992xf32, #tpu.memory_space<vmem>>, vector<1x16xf32>,
        %mul3A_158 = arith.constant 16 : i32
        %mul3A_159 = arith.muli %scan3A_94, %mul3A_158 : i32
        %get3A_160 = arith.constant 4 : i32
        %get3A_161 = arith.index_cast %get3A_160 : i32 to index
        %get3A_162 = arith.index_cast %mul3A_159 : i32 to index
        %get3A_163 = tpu.vector_load %arg6[%get3A_161, %get3A_162] {strides = array<i32>} : memref<8x4992xf32, #tpu.memory_space<vmem>>, vector<1x16xf32>,
        %get3A_164 = vector.shape_cast %get3A_163 : vector<1x16xf32> to vector<16xf32>
        %mul3A_165 = arith.constant 6.400000e+01 : f32
        %mul3A_166 = vector.broadcast %mul3A_165 : f32 to vector<16xf32>
        %mul3A_167 = arith.mulf %get3A_164, %mul3A_166 : vector<16xf32>
        %swap3A_168 = arith.constant 4 : i32
        %swap3A_169 = arith.index_cast %swap3A_168 : i32 to index
        %swap3A_170 = arith.index_cast %mul3A_159 : i32 to index
        %swap3A_171 = tpu.vector_load %arg6[%swap3A_169, %swap3A_170] {strides = array<i32>} : memref<8x4992xf32, #tpu.memory_space<vmem>>, vector<1x16xf32>,
        %swap3A_172 = vector.shape_cast %swap3A_171 : vector<1x16xf32> to vector<16xf32>
        %swap3A_173 = vector.shape_cast %mul3A_167 : vector<16xf32> to vector<1x16xf32>
        tpu.vector_store %arg6[%swap3A_169, %swap3A_170], %swap3A_173 {strides = array<i32>} : memref<8x4992xf32, #tpu.memory_space<vmem>>, vector<1x16xf32>,
        %mul3A_174 = arith.constant 16 : i32
        %mul3A_175 = arith.muli %scan3A_94, %mul3A_174 : i32
        %get3A_176 = arith.constant 5 : i32
        %get3A_177 = arith.index_cast %get3A_176 : i32 to index
        %get3A_178 = arith.index_cast %mul3A_175 : i32 to index
        %get3A_179 = tpu.vector_load %arg6[%get3A_177, %get3A_178] {strides = array<i32>} : memref<8x4992xf32, #tpu.memory_space<vmem>>, vector<1x16xf32>,
        %get3A_180 = vector.shape_cast %get3A_179 : vector<1x16xf32> to vector<16xf32>
        %mul3A_181 = arith.constant 6.400000e+01 : f32
        %mul3A_182 = vector.broadcast %mul3A_181 : f32 to vector<16xf32>
        %mul3A_183 = arith.mulf %get3A_180, %mul3A_182 : vector<16xf32>
        %swap3A_184 = arith.constant 5 : i32
        %swap3A_185 = arith.index_cast %swap3A_184 : i32 to index
        %swap3A_186 = arith.index_cast %mul3A_175 : i32 to index
        %swap3A_187 = tpu.vector_load %arg6[%swap3A_185, %swap3A_186] {strides = array<i32>} : memref<8x4992xf32, #tpu.memory_space<vmem>>, vector<1x16xf32>,
        %swap3A_188 = vector.shape_cast %swap3A_187 : vector<1x16xf32> to vector<16xf32>
        %swap3A_189 = vector.shape_cast %mul3A_183 : vector<16xf32> to vector<1x16xf32>
        tpu.vector_store %arg6[%swap3A_185, %swap3A_186], %swap3A_189 {strides = array<i32>} : memref<8x4992xf32, #tpu.memory_space<vmem>>, vector<1x16xf32>,
        %mul3A_190 = arith.constant 16 : i32
        %mul3A_191 = arith.muli %scan3A_94, %mul3A_190 : i32
        %get3A_192 = arith.constant 6 : i32
        %get3A_193 = arith.index_cast %get3A_192 : i32 to index
        %get3A_194 = arith.index_cast %mul3A_191 : i32 to index
        %get3A_195 = tpu.vector_load %arg6[%get3A_193, %get3A_194] {strides = array<i32>} : memref<8x4992xf32, #tpu.memory_space<vmem>>, vector<1x16xf32>,
        %get3A_196 = vector.shape_cast %get3A_195 : vector<1x16xf32> to vector<16xf32>
        %mul3A_197 = arith.constant 6.400000e+01 : f32
        %mul3A_198 = vector.broadcast %mul3A_197 : f32 to vector<16xf32>
        %mul3A_199 = arith.mulf %get3A_196, %mul3A_198 : vector<16xf32>
        %swap3A_200 = arith.constant 6 : i32
        %swap3A_201 = arith.index_cast %swap3A_200 : i32 to index
        %swap3A_202 = arith.index_cast %mul3A_191 : i32 to index
        %swap3A_203 = tpu.vector_load %arg6[%swap3A_201, %swap3A_202] {strides = array<i32>} : memref<8x4992xf32, #tpu.memory_space<vmem>>, vector<1x16xf32>,
        %swap3A_204 = vector.shape_cast %swap3A_203 : vector<1x16xf32> to vector<16xf32>
        %swap3A_205 = vector.shape_cast %mul3A_199 : vector<16xf32> to vector<1x16xf32>
        tpu.vector_store %arg6[%swap3A_201, %swap3A_202], %swap3A_205 {strides = array<i32>} : memref<8x4992xf32, #tpu.memory_space<vmem>>, vector<1x16xf32>,
        %mul3A_206 = arith.constant 16 : i32
        %mul3A_207 = arith.muli %scan3A_94, %mul3A_206 : i32
        %get3A_208 = arith.constant 7 : i32
        %get3A_209 = arith.index_cast %get3A_208 : i32 to index
        %get3A_210 = arith.index_cast %mul3A_207 : i32 to index
        %get3A_211 = tpu.vector_load %arg6[%get3A_209, %get3A_210] {strides = array<i32>} : memref<8x4992xf32, #tpu.memory_space<vmem>>, vector<1x16xf32>,
        %get3A_212 = vector.shape_cast %get3A_211 : vector<1x16xf32> to vector<16xf32>
        %mul3A_213 = arith.constant 6.400000e+01 : f32
        %mul3A_214 = vector.broadcast %mul3A_213 : f32 to vector<16xf32>
        %mul3A_215 = arith.mulf %get3A_212, %mul3A_214 : vector<16xf32>
        %swap3A_216 = arith.constant 7 : i32
        %swap3A_217 = arith.index_cast %swap3A_216 : i32 to index
        %swap3A_218 = arith.index_cast %mul3A_207 : i32 to index
        %swap3A_219 = tpu.vector_load %arg6[%swap3A_217, %swap3A_218] {strides = array<i32>} : memref<8x4992xf32, #tpu.memory_space<vmem>>, vector<1x16xf32>,
        %swap3A_220 = vector.shape_cast %swap3A_219 : vector<1x16xf32> to vector<16xf32>
        %swap3A_221 = vector.shape_cast %mul3A_215 : vector<16xf32> to vector<1x16xf32>
        tpu.vector_store %arg6[%swap3A_217, %swap3A_218], %swap3A_221 {strides = array<i32>} : memref<8x4992xf32, #tpu.memory_space<vmem>>, vector<1x16xf32>,
      }
      %scan3A_93 = arith.constant 312 : i32
      "tpu.region"() ({
        %run_scoped3A = tpu.sem_alloc : memref<!tpu.dma_semaphore, #tpu.memory_space<semaphore_mem>>
        %dma_start3A = arith.constant 0 : i32
        %dma_start3A_94 = tpu.memref_slice %arg4[%multiple_of3A_12, %dma_start3A] : memref<1024x100000xf32, #tpu.memory_space<hbm>> -> memref<8x4992xf32, #tpu.memory_space<hbm>>
        %dma_start3A_95 = arith.constant 0 : i32
        %dma_start3A_96 = tpu.memref_slice %arg4[%multiple_of3A_12, %dma_start3A_95] : memref<1024x100000xf32, #tpu.memory_space<hbm>> -> memref<8x4992xf32, #tpu.memory_space<hbm>>
        tpu.enqueue_dma source(%arg6 : memref<8x4992xf32, #tpu.memory_space<vmem>>) target(%dma_start3A_96 : memref<8x4992xf32, #tpu.memory_space<hbm>>) target_semaphore(%run_scoped3A : memref<!tpu.dma_semaphore, #tpu.memory_space<semaphore_mem>>)
        %dma_wait3A = arith.constant 0 : i32
        %dma_wait3A_97 = tpu.memref_slice %arg4[%multiple_of3A_12, %dma_wait3A] : memref<1024x100000xf32, #tpu.memory_space<hbm>> -> memref<8x4992xf32, #tpu.memory_space<hbm>>
        %dma_wait3A_98 = arith.constant 0 : i32
        %dma_wait3A_99 = tpu.memref_slice %arg4[%multiple_of3A_12, %dma_wait3A_98] : memref<1024x100000xf32, #tpu.memory_space<hbm>> -> memref<8x4992xf32, #tpu.memory_space<hbm>>
        tpu.wait_dma2 semaphore(%run_scoped3A : memref<!tpu.dma_semaphore, #tpu.memory_space<semaphore_mem>>) src(%arg6 : memref<8x4992xf32, #tpu.memory_space<vmem>>) dst(%dma_wait3A_99 : memref<8x4992xf32, #tpu.memory_space<hbm>>)
        tpu.yield
      }) : () -> ()
    }
    %scan3A_7 = arith.constant 4 : i32
    return
  }
}

</mosaic_0001>

<sc_bundles>
// kernel: kernel.3.cloned.1.call-start
scs
__scs_entry_jumppad:
0x0: {  	(pc) =	sbr.rel $0x88, $3  }
0x1: {  	(tag) =	ssettag $0x0;
	lr =	simm.s32 $0x1  }
0x2: {  	[smem:$0x3F9F] =	sst lr;
	_ =	strace $0xD0000000  }
0x3: {  	_ = 	snop  }
0x4: {  	_ = 	snop  }
0x5: {  	_ = 	snop  }
0x6: {  	_ = 	snop  }
0x7: {  	_ = 	snop  }
__scs_overlays_trampoline_lowered:
0x8: {  	[smem:$0x3FAE] =	sst s0  }
0x9: {  	[smem:$0x3FAF] =	sst s1  }
0xa: {  	[smem:$0x3FB0] =	sst s2  }
0xb: {  	[smem:$0x3FB1] =	sst s3  }
0xc: {  	[smem:$0x3FB2] =	sst s4  }
0xd: {  	[smem:$0x3FB3] =	sst s5  }
0xe: {  	[smem:$0x3FB4] =	sst s6  }
0xf: {  	[smem:$0x3FB5] =	sst s7  }
0x10: {  	[smem:$0x3FB6] =	sst s8  }
0x11: {  	[smem:$0x3FB7] =	sst s9;
	s0 =	simm.s32 @!p0 $0x0  }
0x12: {  	s1 =	sld [smem:$0x3F9D];
	s0 =	simm.s32 @p0 $0x1  }
0x13: {  	[smem:$0x3FB8] =	sst s0;
	s0 =	simm.s32 @!p1 $0x0  }
0x14: {  	s2 =	sld [smem:$0x3F9C];
	s0 =	simm.s32 @p1 $0x1  }
0x15: {  	[smem:$0x3FB9] =	sst s0;
	s0 =	simm.s32 @!p2 $0x0  }
0x16: {  	s3 =	sld [smem:$0x3FDB];
	s0 =	simm.s32 @p2 $0x1  }
0x17: {  	s4 =	simm.s32 $0x1BF5;
	[smem:$0x3FBB] =	sst s0  }
0x18: {  	s0 =	sld [smem:$0x3F9E];
	_ =	swait.ge [sflag:s4], $0x0  }
0x19: {  	s7 =	sld [smem:$0x3F9F]  }
0x1a: {  	s8 =	sadd.s32 $0xFFFFE003, lr  }
0x1b: {  	s9 =	sadd.s32 $0xFFFFFEF7, lr;
	s5 =	simm.s32 $0xFFFFFFFF;
	p2 =	slt.u32 s8, $0xFFFFF086  }
0x1c: {  	p1 =	slt.u32 s9, $0xF7A;
	s5 =	simm.s32 @!p2 $0x0  }
0x1d: {  	s5 =	simm.s32 @p1 $0x1;
	p0 =	seq.s32 s7, s2  }
0x1e: {  	s7 =	smul.u32 @!p0 $0xF7A, s2;
	p2 =	seq.s32 @!p0 s5, $0x0  }
0x1f: {  	s9 =	smul.u32 $0xF7A, s1;
	s8 =	simm.s32 @!p0 $0x1BF5;
	p2 =	por !p2, p0  }
0x20: {  	[sflag:s8] =	ssyncset.s32 @!p0 $0xFFFFF086;
	s6 =	sadd.s32 @!p0 s3, s7;
	s7 =	simm.s32 @!p0 $0x108  }
0x21: {  	s3 =	sadd.s32 s3, s9;
	s6 =	sadd.s32 @!p0 $0x88, s6;
	s7 =	simm.s32 @p2 $0x1082  }
0x22: {  	[simem:s7], [sflag:s8] =	dma.local @!p0 [hbm:s6], $0xF7A  }
0x23: {  	s9 =	sor.u32 $0xD0000000, s2;
	s6 =	simm.s32 $0x108;
	_ =	swait.ge @!p0 [sflag:s8], $0x0  }
0x24: {  	s3 =	sadd.s32 $0x88, s3;
	s6 =	simm.s32 @!p1 $0x1082;
	[sflag:s4] =	ssyncset.s32 $0xFFFFF086  }
0x25: {  	[simem:s6], [sflag:s4] =	dma.local [hbm:s3], $0xF7A  }
0x26: {  	[smem:$0x3F9F] =	sst s1;
	(tag) =	ssettag s2;
	_ =	strace s9  }
0x27: {  	s1 =	sld [smem:$0x3FAF]  }
0x28: {  	s2 =	sld [smem:$0x3FB0]  }
0x29: {  	s4 =	sld [smem:$0x3FB2]  }
0x2a: {  	p0 =	seq.s32 s5, $0x0;
	s5 =	sld [smem:$0x3FB3]  }
0x2b: {  	s6 =	sld [smem:$0x3FB4]  }
0x2c: {  	s7 =	sld [smem:$0x3FB5]  }
0x2d: {  	s3 =	simm.s32 $0x108;
	s8 =	sld [smem:$0x3FB6]  }
0x2e: {  	s3 =	simm.s32 @!p0 $0x1082;
	s9 =	sld [smem:$0x3FB7]  }
0x2f: {  	lr =	sadd.s32 s0, s3;
	s0 =	sld [smem:$0x3FAE]  }
0x30: {  	s3 =	sld [smem:$0x3FB1]  }
0x31: {  	[smem:$0x3FBA] =	sst s10  }
0x32: {  	s10 =	sld [smem:$0x3FB8];
	_ =	sdelay $0x3  }
0x33: {  	p0 =	seq.s32 s10, $0x1;
	s10 =	sld [smem:$0x3FBA];
	_ =	sdelay $0x3  }
0x34: {  	[smem:$0x3FBA] =	sst s10  }
0x35: {  	s10 =	sld [smem:$0x3FB9];
	_ =	sdelay $0x3  }
0x36: {  	p1 =	seq.s32 s10, $0x1;
	s10 =	sld [smem:$0x3FBA];
	_ =	sdelay $0x3  }
0x37: {  	[smem:$0x3FBA] =	sst s10  }
0x38: {  	s10 =	sld [smem:$0x3FBB]  }
0x39: {  	_ = 	snop;
	(pc) =	sbr.ind lr, $3  }
0x3a: {  	_ = 	snop  }
0x3b: {  	_ = 	snop  }
0x3c: {  	p2 =	seq.s32 s10, $0x1;
	s10 =	sld [smem:$0x3FBA]  }
0x3d: {  	_ =	shalt  }
0x3e: {  	_ =	shalt  }
0x3f: {  	_ =	shalt  }
0x40: {  	_ =	shalt  }
0x41: {  	_ =	shalt  }
0x42: {  	_ =	shalt  }
0x43: {  	_ =	shalt  }
0x44: {  	_ =	shalt  }
0x45: {  	_ =	shalt  }
0x46: {  	_ =	shalt  }
0x47: {  	_ =	shalt  }
0x48: {  	_ =	shalt  }
0x49: {  	_ =	shalt  }
0x4a: {  	_ =	shalt  }
0x4b: {  	_ =	shalt  }
0x4c: {  	_ =	shalt  }
0x4d: {  	_ =	shalt  }
0x4e: {  	_ =	shalt  }
0x4f: {  	_ =	shalt  }
0x50: {  	_ =	shalt  }
0x51: {  	_ =	shalt  }
0x52: {  	_ =	shalt  }
0x53: {  	_ =	shalt  }
0x54: {  	_ =	shalt  }
0x55: {  	_ =	shalt  }
0x56: {  	_ =	shalt  }
0x57: {  	_ =	shalt  }
0x58: {  	_ =	shalt  }
0x59: {  	_ =	shalt  }
0x5a: {  	_ =	shalt  }
0x5b: {  	_ =	shalt  }
0x5c: {  	_ =	shalt  }
0x5d: {  	_ =	shalt  }
0x5e: {  	_ =	shalt  }
0x5f: {  	_ =	shalt  }
0x60: {  	_ =	shalt  }
0x61: {  	_ =	shalt  }
0x62: {  	_ =	shalt  }
0x63: {  	_ =	shalt  }
0x64: {  	_ =	shalt  }
0x65: {  	_ =	shalt  }
0x66: {  	_ =	shalt  }
0x67: {  	_ =	shalt  }
0x68: {  	_ =	shalt  }
0x69: {  	_ =	shalt  }
0x6a: {  	_ =	shalt  }
0x6b: {  	_ =	shalt  }
0x6c: {  	_ =	shalt  }
0x6d: {  	_ =	shalt  }
0x6e: {  	_ =	shalt  }
0x6f: {  	_ =	shalt  }
0x70: {  	_ =	shalt  }
0x71: {  	_ =	shalt  }
0x72: {  	_ =	shalt  }
0x73: {  	_ =	shalt  }
0x74: {  	_ =	shalt  }
0x75: {  	_ =	shalt  }
0x76: {  	_ =	shalt  }
0x77: {  	_ =	shalt  }
0x78: {  	_ =	shalt  }
0x79: {  	_ =	shalt  }
0x7a: {  	_ =	shalt  }
0x7b: {  	_ =	shalt  }
0x7c: {  	_ =	shalt  }
0x7d: {  	_ =	shalt  }
0x7e: {  	_ =	shalt  }
0x7f: {  	_ =	shalt  }
0x80: {  	_ =	shalt  }
0x81: {  	_ =	shalt  }
0x82: {  	_ =	shalt  }
0x83: {  	_ =	shalt  }
0x84: {  	_ =	shalt  }
0x85: {  	_ =	shalt  }
0x86: {  	_ =	shalt  }
0x87: {  	_ =	shalt  }
.Lfunc_end0:
.L_simem_size_0:
called_computation_lowered:
.L_overlay_start_0:
0x88: {  	s2 =	sld [smem:$0x3FD9]  }
0x89: {  	s3 =	sld [smem:$0x3FFE];
	_ =	sdelay $0x1  }
0x8a: {  	s1 =	srdreg.scid  }
0x8b: {  	s0 =	sand.u32 $0x1, s1  }
0x8c: {  	s17 =	sshll.u32 s0, $0xA;
	s2 =	sadd.s32 s3, s2  }
0x8d: {  	s2 =	sadd.s32 s2, s17  }
0x8e: {  	[smem:$0x3FC6] =	sst s2  }
0x8f: {  	_ = 	snop  }
0x90: {  	s2 =	sld [smem:$0x3FC8];
	(tm) =	ssettm $0x1  }
0x91: {  	s18 =	sld [smem:$0x3FFB];
	_ =	sdelay $0x3  }
0x92: {  	_ =	strace s18  }
0x93: {  	s3 =	sld [smem:$0x3FFC];
	_ =	sdelay $0x3  }
0x94: {  	_ =	strace s3  }
0x95: {  	s3 =	sld [smem:$0x3FFD];
	_ =	sdelay $0x3  }
0x96: {  	_ =	strace s3  }
0x97: {  	_ =	strace $0x8FFFFFFF  }
0x98: {  	s19 =	sld [smem:$0x3FDB];
	_ =	sdelay $0x1  }
0x99: {  	s4 =	simm.s32 $_scs_section_size  }
0x9a: {  	s5 =	simm.s32 $_size__tile_overlayer_lowered;
	s6 =	simm.s32 $_tile_overlayer_lowered  }
0x9b: {  	s22 =	simm.s32 $0x1BFF;
	s21 =	sshll.u32 s6, $0x1;
	s3 =	sadd.s32 s4, s19  }
0x9c: {  	s7 =	simm.s32 $0x0;
	s20 =	sshll.u32 s5, $0x1;
	s5 =	sadd.s32 s21, s3  }
0x9d: {  	[timem:s7], [sflag:s22] =	dma.local [hbm:s5], s20  }
0x9e: {  	_ =	swait.ge [sflag:s22], s20  }
0x9f: {  	s4 =	ssub.s32 $0x0, s20;
	[sflag:s22] =	ssyncset.done $0x0  }
0xa0: {  	[sflag:s22] =	ssyncadd.s32 s4;
	_ =	sdelay $0x1  }
0xa1: {  	s23 =	simm.s32 $0x1B8B  }
0xa2: {  	_ =	swait.ge [sflag:s23], $0x1  }
0xa3: {  	[sflag:s23] =	ssyncset.done $0x0  }
0xa4: {  	s25 =	simm.s32 $0x1B8E;
	s24 =	sld [smem:$0x3FFE];
	[sflag:s23] =	ssyncadd.s32 $0xFFFFFFFF  }
0xa5: {  	s26 =	simm.s32 $execute0_lowered;
	[smem:$0x3FD2] =	sst s25  }
0xa6: {  	s5 =	sshll.u32 s26, $0x1;
	_ =	strace $0x80000046;
	[dreg:$0x1] =	wrdreg $0xFFFFFFFF  }
0xa7: {  	s28 =	simm.s32 $_size_execute0_lowered;
	s3 =	sadd.s32 s3, s5;
	[dreg:$0x0] =	wrdreg $0x0  }
0xa8: {  	s5 =	sshll.u32 s28, $0x1;
	[dreg:$0x2] =	wrdreg s3  }
0xa9: {  	[dreg:$0x3] =	wrdreg s5  }
0xaa: {  	[dreg:$0x4] =	wrdreg $0xC0  }
0xab: {  	_ =	task [dreg:s7], $0x5FFFF  }
0xac: {  	[dreg:$0x1] =	wrdreg $0xFFFFFFFF  }
0xad: {  	[dreg:$0x0] =	wrdreg $0x60  }
0xae: {  	[dreg:$0x2] =	wrdreg s24  }
0xaf: {  	[dreg:$0x3] =	wrdreg s2  }
0xb0: {  	[dreg:$0x4] =	wrdreg $0x9  }
0xb1: {  	_ =	task.clear_ibuf [dreg:s7], $0x5FFFF;
	_ =	strace $0x90000046  }
0xb2: {  	s29 =	simm.s32 $0x9;
	_ =	strace $0x80000048  }
0xb3: {  	_ =	swait.ge [sflag:s29], $0x1  }
0xb4: {  	[sflag:s29] =	ssyncadd.s32 $0xFFFFFFFF  }
0xb5: {  	_ =	strace $0x90000048  }
0xb6: {  	_ =	sfence  }
0xb7: {  	s30 =	sld [smem:$0x0];
	_ =	sdelay $0x2  }
0xb8: {  	s31 =	sshll.u32 s1, $0xD;
	s1 =	sshrl.u32 s1, $0x2  }
0xb9: {  	s3 =	sand.u32 $0x4000, s31;
	s1 =	sadd.s32 s1, s30  }
0xba: {  	s0 =	sor.u32 s3, s0;
	s1 =	sshll.u32 s1, $0x11  }
0xbb: {  	s0 =	sor.u32 s1, s0  }
0xbc: {  	s0 =	sadd.s32 $0x8F2B, s0  }
0xbd: {  	[sflag:s0] =	ssyncadd.remote.s32 $0x1  }
0xbe: {  	_ =	sfence.sel $0xFFFF  }
0xbf: {  	[dreg:$0x0] =	wrdreg $0xFFFFFFFF;
	(pc) =	sbr.abs _section_cstart, $3  }
0xc0: {  	[dreg:$0x1] =	wrdreg $0xFFFFFFFF  }
0xc1: {  	_ =	task.clear_ibuf [dreg:s7], $0x2FFFF;
	_ =	strace $0x9FFFFFFF  }
0xc2: {  	(tm) =	ssettm $0x7FFFFFFF  }
0xc3: {  	_ =	shalt  }
tec
execute0_lowered:
.L_overlay_start_1:
0x0: {  	(tag) =	ssettag $0x1  }
0x1: {  	s5 =	rddreg [dreg:$0x0]  }
0x2: {  	s1 =	rddreg [dreg:$0x1]  }
0x3: {  	s0 =	rddreg [dreg:$0x2]  }
0x4: {  	s2 =	simm.s32 $0x0;
	s3 =	srdreg.scid;
	s9 =	simm.s32 $0x480  }
0x5: {  	s10 =	simm.s32 $0x0;
	[smem:$0x7FF] =	sst s2;
	s6 =	sand.u32 $0x1, s3  }
0x6: {  	s4 =	sadd.s32 $0x400, s5;
	s3 =	stileid.u32;
	s7 =	ssub.s32 $0x2, s6  }
0x7: {  	s31 =	sshll.u32 s3, $0x6;
	s6 =	sshll.u32 s6, $0x5;
	s8 =	sshrl.u32 s7, $0x1  }
0x8: {  	s5 =	sadd.s32 $0xC38400, s5;
	s6 =	sor.u32 s6, s31;
	s7 =	ssub.s32 s7, s8  }
0x9: {  	_ =	strace $0x80000047;
	s8 =	simm.s32 $0x1;
	v0 =	vmov s6;
	s7 =	smax.u32 s7, $0x1  }
.LBB2_1:
0xa: {  	[tilespmem:s2], [sflag:$0x1] =	stream.linear.gather [hbm4b:s1+s2], $0x400, $0x38;
	[tilespmem:$0xA080] =	vst v63  }
0xb: {  	_ =	swait.ge [sflag:s8], $0x400  }
0xc: {  	[sflag:s8] =	ssyncset.done $0x0  }
0xd: {  	s11 =	simm.s32 $0x0;
	[sflag:s8] =	ssyncadd.s32 $0xFFFFFC00  }
.LBB2_2:
0xe: {  	_ = 	snop  }
0xf: {  	s12 =	sshll.u32 s11, $0x3  }
0x10: {  	s13 =	sadd.s32 s6, s12  }
0x11: {  	s13 =	sshrl.u32 s13, $0x3  }
0x12: {  	v1 =	vld.idx.msk [tilespmem:v0+s12+$0x0 ss:$0x1], $0xffff;
	s12 =	smul.u32 $0x18700, s13;
	_ =	sdelay $0x1  }
0x13: {  	s13 =	sadd.s32 s4, s12  }
0x14: {  	[tilespmem:s9], [sflag:$0x1] =	stream.linear.gather [hbm4b:s13+s2], $0x9C00, $0x38;
	[tilespmem:$0xA080] =	vst v63  }
0x15: {  	_ =	swait.ge [sflag:s8], $0x9C00  }
0x16: {  	(v2sf) =	vpush v1, $0x0;
	_ =	sdelay $0x8  }
0x17: {  	(v2sf) =	vpush v1, $0x1;
	_ =	sdelay $0x5  }
0x18: {  	s13 =	spop (v2sf)  }
0x19: {  	p1 =	sgt.u32 s13, $0x137F  }
0x1a: {  	s14 =	sshll.u32 @!p1 s13, $0x3  }
0x1b: {  	[sflag:s8] =	ssyncset.done $0x0;
	(v2sf) =	vpush v1, $0x2;
	s15 =	sand.u32 @!p1 $0x70, s13;
	s14 =	sand.u32 @!p1 $0xFC00, s14  }
0x1c: {  	[sflag:s8] =	ssyncadd.s32 $0xFFFF6400;
	s14 =	sor.u32 @!p1 s15, s14  }
0x1d: {  	v2 =	vld @!p1 [tilespmem:s14+$0x480];
	_ =	sdelay $0x3  }
0x1e: {  	s13 =	sand.u32 @!p1 $0xF, s13;
	s15 =	spop (v2sf)  }
0x1f: {  	v4 =	vlaneseq.u32 @!p1;
	v3 =	vmov @!p1 s13;
	p0 =	sgt.u32 s15, $0x137F;
	v5 =	vadd.f32 @!p1 $-3.499999940e-01, v2  }
0x20: {  	vm0 =	veq.s32 @!p1 v3, v4;
	s13 =	sshll.u32 @!p0 s15, $0x3  }
0x21: {  	(v2sf) =	vpush v1, $0x3;
	s16 =	sand.u32 @!p0 $0x70, s15;
	s13 =	sand.u32 @!p0 $0xFC00, s13;
	v2 =	vsel @!p1 vm0, v5, v2  }
0x22: {  	s13 =	sor.u32 @!p0 s16, s13;
	[tilespmem:s14+$0x480] =	vst @!p1 v2  }
0x23: {  	v2 =	vld @!p0 [tilespmem:s13+$0x500];
	_ =	sdelay $0x3  }
0x24: {  	s14 =	sand.u32 @!p0 $0xF, s15;
	s15 =	spop (v2sf)  }
0x25: {  	v4 =	vlaneseq.u32 @!p0;
	v3 =	vmov @!p0 s14;
	p1 =	sgt.u32 s15, $0x137F;
	v5 =	vadd.f32 @!p0 $-3.499999940e-01, v2  }
0x26: {  	vm0 =	veq.s32 @!p0 v3, v4;
	s14 =	sshll.u32 @!p1 s15, $0x3  }
0x27: {  	(v2sf) =	vpush v1, $0x4;
	s16 =	sand.u32 @!p1 $0x70, s15;
	s14 =	sand.u32 @!p1 $0xFC00, s14;
	v2 =	vsel @!p0 vm0, v5, v2  }
0x28: {  	[tilespmem:s13+$0x500] =	vst @!p0 v2;
	s13 =	sor.u32 @!p1 s16, s14  }
0x29: {  	v2 =	vld @!p1 [tilespmem:s13+$0x580];
	_ =	sdelay $0x3  }
0x2a: {  	s14 =	sand.u32 @!p1 $0xF, s15;
	s15 =	spop (v2sf)  }
0x2b: {  	v4 =	vlaneseq.u32 @!p1;
	v3 =	vmov @!p1 s14;
	p0 =	sgt.u32 s15, $0x137F;
	v5 =	vadd.f32 @!p1 $-3.499999940e-01, v2  }
0x2c: {  	vm0 =	veq.s32 @!p1 v3, v4;
	s14 =	sshll.u32 @!p0 s15, $0x3  }
0x2d: {  	(v2sf) =	vpush v1, $0x5;
	s16 =	sand.u32 @!p0 $0x70, s15;
	s14 =	sand.u32 @!p0 $0xFC00, s14;
	v2 =	vsel @!p1 vm0, v5, v2  }
0x2e: {  	[tilespmem:s13+$0x580] =	vst @!p1 v2;
	s13 =	sor.u32 @!p0 s16, s14  }
0x2f: {  	v2 =	vld @!p0 [tilespmem:s13+$0x600];
	_ =	sdelay $0x3  }
0x30: {  	s14 =	sand.u32 @!p0 $0xF, s15;
	s15 =	spop (v2sf)  }
0x31: {  	v4 =	vlaneseq.u32 @!p0;
	v3 =	vmov @!p0 s14;
	p1 =	sgt.u32 s15, $0x137F;
	v5 =	vadd.f32 @!p0 $-3.499999940e-01, v2  }
0x32: {  	vm0 =	veq.s32 @!p0 v3, v4;
	s14 =	sshll.u32 @!p1 s15, $0x3  }
0x33: {  	(v2sf) =	vpush v1, $0x6;
	s16 =	sand.u32 @!p1 $0x70, s15;
	s14 =	sand.u32 @!p1 $0xFC00, s14;
	v2 =	vsel @!p0 vm0, v5, v2  }
0x34: {  	[tilespmem:s13+$0x600] =	vst @!p0 v2;
	s13 =	sor.u32 @!p1 s16, s14  }
0x35: {  	v2 =	vld @!p1 [tilespmem:s13+$0x680];
	_ =	sdelay $0x3  }
0x36: {  	s14 =	sand.u32 @!p1 $0xF, s15;
	s15 =	spop (v2sf)  }
0x37: {  	v4 =	vlaneseq.u32 @!p1;
	v3 =	vmov @!p1 s14;
	p0 =	sgt.u32 s15, $0x137F;
	v5 =	vadd.f32 @!p1 $-3.499999940e-01, v2  }
0x38: {  	vm0 =	veq.s32 @!p1 v3, v4;
	s14 =	sshll.u32 @!p0 s15, $0x3  }
0x39: {  	(v2sf) =	vpush v1, $0x7;
	s16 =	sand.u32 @!p0 $0x70, s15;
	s14 =	sand.u32 @!p0 $0xFC00, s14;
	v2 =	vsel @!p1 vm0, v5, v2  }
0x3a: {  	[tilespmem:s13+$0x680] =	vst @!p1 v2;
	s13 =	sor.u32 @!p0 s16, s14  }
0x3b: {  	v1 =	vld @!p0 [tilespmem:s13+$0x700];
	_ =	sdelay $0x3  }
0x3c: {  	s15 =	sand.u32 @!p0 $0xF, s15;
	s14 =	spop (v2sf)  }
0x3d: {  	v3 =	vlaneseq.u32 @!p0;
	v2 =	vmov @!p0 s15;
	p1 =	sgt.u32 s14, $0x137F;
	v4 =	vadd.f32 @!p0 $-3.499999940e-01, v1  }
0x3e: {  	vm0 =	veq.s32 @!p0 v2, v3;
	s15 =	sshll.u32 @!p1 s14, $0x3  }
0x3f: {  	s16 =	sand.u32 @!p1 $0x70, s14;
	s15 =	sand.u32 @!p1 $0xFC00, s15;
	v1 =	vsel @!p0 vm0, v4, v1  }
0x40: {  	[tilespmem:s13+$0x700] =	vst @!p0 v1;
	s13 =	sor.u32 @!p1 s16, s15  }
0x41: {  	v1 =	vld @!p1 [tilespmem:s13+$0x780];
	_ =	sdelay $0x3  }
0x42: {  	s14 =	sand.u32 @!p1 $0xF, s14;
	s15 =	spop (v2sf)  }
0x43: {  	v3 =	vlaneseq.u32 @!p1;
	v2 =	vmov @!p1 s14;
	p0 =	sgt.u32 s15, $0x137F;
	v4 =	vadd.f32 @!p1 $-3.499999940e-01, v1  }
0x44: {  	vm0 =	veq.s32 @!p1 v2, v3;
	s14 =	sshll.u32 @!p0 s15, $0x3  }
0x45: {  	s16 =	sand.u32 @!p0 $0x70, s15;
	s14 =	sand.u32 @!p0 $0xFC00, s14;
	v1 =	vsel @!p1 vm0, v4, v1  }
0x46: {  	s14 =	sor.u32 @!p0 s16, s14;
	[tilespmem:s13+$0x780] =	vst @!p1 v1  }
0x47: {  	v1 =	vld @!p0 [tilespmem:s14+$0x800];
	_ =	sdelay $0x3  }
0x48: {  	s13 =	sand.u32 @!p0 $0xF, s15  }
0x49: {  	v3 =	vlaneseq.u32 @!p0;
	v2 =	vmov @!p0 s13;
	v4 =	vadd.f32 @!p0 $-3.499999940e-01, v1  }
0x4a: {  	s13 =	simm.s32 $0x0;
	vm0 =	veq.s32 @!p0 v2, v3  }
0x4b: {  	s28 =	sand.u32 $0x70, s13;
	s29 =	sand.u32 $0xFC00, s13;
	v1 =	vsel @!p0 vm0, v4, v1  }
0x4c: {  	s30 =	sor.u32 s28, s29;
	[tilespmem:s14+$0x800] =	vst @!p0 v1  }
0x4d: {  	v1 =	vld [tilespmem:s30+$0x780]  }
0x4e: {  	v2 =	vld [tilespmem:s30+$0x600]  }
0x4f: {  	v3 =	vld [tilespmem:s30+$0x700]  }
0x50: {  	v62 =	vld [tilespmem:s30+$0x580]  }
0x51: {  	v63 =	vld [tilespmem:s30+$0x500]  }
0x52: {  	v7 =	vld [tilespmem:s30+$0x480];
	v1 =	vmul.f32 $6.400000000e+01, v1  }
0x53: {  	v6 =	vld [tilespmem:s30+$0x680];
	v2 =	vmul.f32 $6.400000000e+01, v2  }
0x54: {  	v3 =	vmul.f32 $6.400000000e+01, v3;
	[tilespmem:s30+$0x780] =	vst v1  }
0x55: {  	v1 =	vmul.f32 $6.400000000e+01, v62;
	[tilespmem:s30+$0x600] =	vst v2  }
0x56: {  	v2 =	vmul.f32 $6.400000000e+01, v63;
	[tilespmem:s30+$0x700] =	vst v3  }
0x57: {  	s31 =	sand.u32 $0x7, s13;
	v3 =	vmul.f32 $6.400000000e+01, v7;
	[tilespmem:s30+$0x580] =	vst v1  }
0x58: {  	s15 =	sshll.u32 s31, $0x4;
	v1 =	vmul.f32 $6.400000000e+01, v6;
	[tilespmem:s30+$0x500] =	vst v2  }
0x59: {  	s15 =	sadd.s32 $0x0, s15;
	[tilespmem:s30+$0x480] =	vst v3  }
0x5a: {  	s16 =	sor.u32 $0x380, s15;
	[tilespmem:s30+$0x680] =	vst v1  }
0x5b: {  	s15 =	simm.s32 $0x0;
	s14 =	simm.s32 $0x10;
	v1 =	vld [tilespmem:s16+$0x480]  }
.LBB2_3:
0x5c: {  	p0 =	sne.s32 s14, $0x1370;
	s13 =	sadd.s32 $0x80, s13;
	s15 =	sadd.s32 $0x1, s15  }
0x5d: {  	s17 =	smov.u32 s14;
	s14 =	sadd.s32 $0x10, s14;
	_ =	sdelay $0x2  }
0x5e: {  	v1 =	vmul.f32 $6.400000000e+01, v1;
	_ =	sdelay $0x1  }
0x5f: {  	s17 =	sand.u32 $0x70, s17;
	s18 =	sand.u32 $0xFC00, s13;
	[tilespmem:s16+$0x480] =	vst v1  }
0x60: {  	s16 =	sor.u32 s17, s18  }
0x61: {  	v1 =	vld [tilespmem:s16+$0x780]  }
0x62: {  	v2 =	vld [tilespmem:s16+$0x600]  }
0x63: {  	v3 =	vld [tilespmem:s16+$0x700]  }
0x64: {  	v4 =	vld [tilespmem:s16+$0x580]  }
0x65: {  	v5 =	vld [tilespmem:s16+$0x500]  }
0x66: {  	v6 =	vld [tilespmem:s16+$0x680];
	v1 =	vmul.f32 $6.400000000e+01, v1  }
0x67: {  	v7 =	vld [tilespmem:s16+$0x480];
	v2 =	vmul.f32 $6.400000000e+01, v2  }
0x68: {  	v3 =	vmul.f32 $6.400000000e+01, v3;
	[tilespmem:s16+$0x780] =	vst v1  }
0x69: {  	v1 =	vmul.f32 $6.400000000e+01, v4;
	[tilespmem:s16+$0x600] =	vst v2  }
0x6a: {  	v2 =	vmul.f32 $6.400000000e+01, v5;
	[tilespmem:s16+$0x700] =	vst v3  }
.Ltmp0:
0x6b: {  	s17 =	sand.u32 $0x7, s15;
	[tilespmem:s16+$0x580] =	vst v1;
	v1 =	vmul.f32 $6.400000000e+01, v6;
	(pc) =	sbr.rel @p0 .LBB2_3-.Ltmp0, $4  }
0x6c: {  	s17 =	sshll.u32 s17, $0x4;
	v3 =	vmul.f32 $6.400000000e+01, v7;
	[tilespmem:s16+$0x500] =	vst v2  }
0x6d: {  	s17 =	sadd.s32 s17, s13;
	[tilespmem:s16+$0x680] =	vst v1  }
0x6e: {  	[tilespmem:s16+$0x480] =	vst v3;
	s16 =	sor.u32 $0x380, s17  }
0x6f: {  	v1 =	vld [tilespmem:s16+$0x480]  }
0x70: {  	_ =	sdelay $0x3  }
0x71: {  	s11 =	sadd.s32 $0x1, s11;
	v1 =	vmul.f32 $6.400000000e+01, v1  }
0x72: {  	p0 =	sne.s32 s11, $0x4  }
.Ltmp1:
0x73: {  	s12 =	sadd.s32 s5, s12;
	[tilespmem:s16+$0x480] =	vst v1;
	(pc) =	sbr.rel @p0 .LBB2_2-.Ltmp1, $4  }
0x74: {  	[hbm4b:s12+s2] =	stream.linear.scatter [tilespmem:s9], [sflag:$0x1], $0x9C00, $0x38;
	[tilespmem:$0xA080] =	vst v63  }
0x75: {  	_ =	swait.ge [sflag:s8], $0x9C00  }
0x76: {  	[sflag:s8] =	ssyncset.done $0x0  }
0x77: {  	[sflag:s8] =	ssyncadd.s32 $0xFFFF6400  }
0x78: {  	s10 =	sadd.s32 $0x1, s10  }
0x79: {  	p0 =	sne.s32 s10, s7  }
.Ltmp2:
0x7a: {  	_ = 	snop;
	(pc) =	sbr.rel @p0 .LBB2_1-.Ltmp2, $1  }
0x7b: {  	_ =	sdelay $0x3  }
0x7c: {  	_ =	sfence.sel $0x180000  }
0x7d: {  	[bflag:$0x0] =	sbarrier.arrive $0xFFFF  }
0x7e: {  	p0 =	sne.s32 s3, $0x0;
	_ =	strace $0x90000047  }
0x7f: {  	s0 =	sadd.s32 @!p0 $0x100000, s0;
	[bflag:$0x2] =	sbarrier.arrive $0xFFFF  }
0x80: {  	[sflag:s0] =	ssyncadd.tile.s32 @!p0 $0x1;
	_ =	shalt  }
.Lfunc_end2:
_tile_overlayer_lowered:
.L_overlay_start_2:
0x81: {  	(tag) =	ssettag $0x2  }
0x82: {  	s0 =	rddreg [dreg:$0x0];
	s2 =	stileid.u32  }
0x83: {  	s1 =	rddreg [dreg:$0x1];
	p0 =	sne.s32 s2, $0x0  }
0x84: {  	s3 =	rddreg [dreg:$0x2];
	[bflag:$0x3] =	sbarrier.arrive $0xFFFF;
	s2 =	simm.s32 @!p0 $0x1C01  }
0x85: {  	[timem:s3], [sflag:s2] =	dma.local @!p0 [hbm:s0], s1  }
0x86: {  	s0 =	simm.s32 @!p0 $0x1  }
0x87: {  	_ =	swait.ge @!p0 [sflag:s0], s1  }
0x88: {  	s1 =	ssub.s32 @!p0 $0x0, s1;
	[sflag:s0] =	ssyncset.done @!p0 $0x0  }
0x89: {  	[sflag:s0] =	ssyncadd.s32 @!p0 s1  }
0x8a: {  	[bflag:$0x3] =	sbarrier.arrive $0xFFFF  }
0x8b: {  	_ =	shalt  }

</sc_bundles>
